<compile_context>
chip_gen: v7x
topology: tpu7x:2x2x1
jax: 0.10.2.dev20260603
libtpu: 0.0.44.dev20260713+nightly
codegen_flags: <defaults>
</compile_context>

<pallas_src>
import functools

import jax
import jax.numpy as jnp
from jax import lax
from jax.experimental import pallas as pl
from jax.experimental.pallas import tpu as pltpu
from jax.experimental.pallas import tpu_sc as plsc

BLK = 128
K_NN = 16
K_Q = 8
TD = 64
PCH = 3 * TD
PPAD = 256


def _knn_proj_kernel(xyz_all_ref, xt_blk_ref, wn_ref, wc_ref,
                     bctr_ref, idx_ref, tab_ref, ctr_ref, *, n_total):
    b = pl.program_id(0)
    nb = pl.program_id(1)
    base = nb * BLK

    xt = xt_blk_ref[0]
    xa = xyz_all_ref[0]
    d2 = jnp.zeros((BLK, n_total), dtype=jnp.float32)
    for d in range(3):
        diff = xt[:, d][:, None] - xa[d][None, :]
        d2 = d2 + diff * diff

    iota_n = lax.broadcasted_iota(jnp.int32, (BLK, n_total), 1)
    iota_m = lax.broadcasted_iota(jnp.int32, (BLK, n_total), 0)
    big = jnp.float32(3.4e38)
    d2 = jnp.where(iota_n == iota_m + base, big, d2)

    rows = []
    for _ in range(K_NN):
        m = jnp.min(d2, axis=1)
        cand = jnp.where(d2 <= m[:, None], iota_n, jnp.int32(n_total))
        a = jnp.min(cand, axis=1)
        rows.append(a)
        d2 = jnp.where(iota_n == a[:, None], big, d2)
    idx_ref[0] = jnp.stack(rows, axis=0) + b * n_total

    dn = (((1,), (1,)), ((), ()))
    tab = lax.dot_general(xt, wn_ref[...], dn,
                          preferred_element_type=jnp.float32)
    if PPAD > PCH:
        tab = jnp.concatenate(
            [tab, jnp.zeros((BLK, PPAD - PCH), jnp.float32)], axis=1)
    tab_ref[0] = tab
    ctr_ref[0] = lax.dot_general(xt, wc_ref[...], dn,
                                 preferred_element_type=jnp.float32) \
        + bctr_ref[...]


def _make_sc_gather(total_rows, n_workers):
    rows_per_w = total_rows // n_workers
    chunk = 128
    n_chunks = rows_per_w // chunk
    mesh = plsc.VectorSubcoreMesh(core_axis_name="c", subcore_axis_name="s")

    @functools.partial(
        pl.kernel, mesh=mesh,
        out_type=jax.ShapeDtypeStruct((total_rows, PPAD), jnp.float32),
        scratch_types=[
            pltpu.VMEM((chunk,), jnp.int32),
            pltpu.VMEM((chunk, PPAD), jnp.float32),
            pltpu.SemaphoreType.DMA,
        ],
    )
    def sc_gather(tab_hbm, idx_hbm, out_hbm, idx_v, rows_v, sem):
        wid = lax.axis_index("s") * 2 + lax.axis_index("c")
        base = wid * rows_per_w

        def body(ci, carry):
            r0 = base + ci * chunk
            pltpu.sync_copy(idx_hbm.at[pl.ds(r0, chunk)], idx_v)
            pltpu.async_copy(tab_hbm.at[idx_v], rows_v, sem).wait()
            pltpu.sync_copy(rows_v, out_hbm.at[pl.ds(r0, chunk)])
            return carry

        lax.fori_loop(0, n_chunks, body, 0)

    return sc_gather


def _attn_kernel(g_ref, ctr_ref, feat_ref, wout_ref, bc_ref, out_ref):
    g = g_ref[0]
    ctr = ctr_ref[0]
    qct = ctr[:, 0:TD]
    kct = ctr[:, TD:2 * TD]
    vct = ctr[:, 2 * TD:3 * TD]

    gq = [g[j, :, 0:TD] + qct for j in range(K_Q)]
    gk = [g[j, :, TD:2 * TD] + kct for j in range(K_NN)]
    gv = [g[j, :, 2 * TD:3 * TD] + vct for j in range(K_NN)]

    i_r = lax.broadcasted_iota(jnp.int32, (K_NN * TD, K_NN), 0)
    i_c = lax.broadcasted_iota(jnp.int32, (K_NN * TD, K_NN), 1)
    bd = (i_r // TD == i_c).astype(jnp.float32)

    w = jnp.zeros((BLK, K_NN), dtype=jnp.float32)
    for i in range(K_Q):
        e_i = jnp.concatenate([gq[i] * gk[j] for j in range(K_NN)], axis=1)
        logits = jnp.dot(e_i, bd, preferred_element_type=jnp.float32)
        mx = jnp.max(logits, axis=1, keepdims=True)
        e = jnp.exp(logits - mx)
        w = w + e / jnp.sum(e, axis=1, keepdims=True)

    res = jnp.zeros((BLK, TD), dtype=jnp.float32)
    for j in range(K_NN):
        res = res + gv[j] * w[:, j][:, None]

    out = lax.dot_general(wout_ref[...], res, (((1,), (1,)), ((), ())),
                          preferred_element_type=jnp.float32)
    out_ref[0] = out + bc_ref[...] + feat_ref[0]


def kernel(feature, xyz, Wq, bq, Wk, bk, Wv, bv, Wc, bc):
    B, C, N = feature.shape
    nblk = N // BLK
    cin = 3 + C

    def split(W):
        return W[:, 0:3], W[:, 3:6], W[:, 6:6 + C], W[:, 6 + C:6 + 2 * C]

    qa, qb, qc_, qd = split(Wq)
    ka, kb, kc_, kd = split(Wk)
    va, vb, vc_, vd = split(Wv)
    w_nbr = jnp.concatenate([
        jnp.concatenate([qa, qc_], axis=1),
        jnp.concatenate([ka, kc_], axis=1),
        jnp.concatenate([va, vc_], axis=1),
    ], axis=0)
    w_ctr = jnp.concatenate([
        jnp.concatenate([qb - qa, qd - qc_], axis=1),
        jnp.concatenate([kb - ka, kd - kc_], axis=1),
        jnp.concatenate([vb - va, vd - vc_], axis=1),
    ], axis=0)
    b_ctr = jnp.concatenate([bq, bk, bv])[None, :]
    x_t = jnp.transpose(jnp.concatenate([xyz, feature], axis=1),
                        (0, 2, 1))

    bh = B // 2 if B % 2 == 0 else B
    sc_gather = _make_sc_gather(bh * K_NN * N, 32)
    outs = []
    for h in range(B // bh):
        sl = slice(h * bh, (h + 1) * bh)
        idx, tab, ctr = pl.pallas_call(
            functools.partial(_knn_proj_kernel, n_total=N),
            grid=(bh, nblk),
            in_specs=[
                pl.BlockSpec((1, 3, N), lambda b, n: (b, 0, 0)),
                pl.BlockSpec((1, BLK, cin), lambda b, n: (b, n, 0)),
                pl.BlockSpec((PCH, cin), lambda b, n: (0, 0)),
                pl.BlockSpec((PCH, cin), lambda b, n: (0, 0)),
                pl.BlockSpec((1, PCH), lambda b, n: (0, 0)),
            ],
            out_specs=[
                pl.BlockSpec((1, K_NN, BLK), lambda b, n: (b, 0, n)),
                pl.BlockSpec((1, BLK, PPAD), lambda b, n: (b, n, 0)),
                pl.BlockSpec((1, BLK, PCH), lambda b, n: (b, n, 0)),
            ],
            out_shape=[
                jax.ShapeDtypeStruct((bh, K_NN, N), jnp.int32),
                jax.ShapeDtypeStruct((bh, N, PPAD), jnp.float32),
                jax.ShapeDtypeStruct((bh, N, PCH), jnp.float32),
            ],
        )(xyz[sl], x_t[sl], w_nbr, w_ctr, b_ctr)

        gathered = sc_gather(tab.reshape(bh * N, PPAD),
                             idx.reshape(bh * K_NN * N))
        g4 = gathered.reshape(bh, K_NN, N, PPAD)

        outs.append(pl.pallas_call(
            _attn_kernel,
            grid=(bh, nblk),
            in_specs=[
                pl.BlockSpec((1, K_NN, BLK, PPAD),
                             lambda b, n: (b, 0, n, 0)),
                pl.BlockSpec((1, BLK, PCH), lambda b, n: (b, n, 0)),
                pl.BlockSpec((1, C, BLK), lambda b, n: (b, 0, n)),
                pl.BlockSpec((C, TD), lambda b, n: (0, 0)),
                pl.BlockSpec((C, 1), lambda b, n: (0, 0)),
            ],
            out_specs=pl.BlockSpec((1, C, BLK), lambda b, n: (b, 0, n)),
            out_shape=jax.ShapeDtypeStruct((bh, C, N), jnp.float32),
        )(g4, ctr, feature[sl], Wc, bc[:, None]))

    return outs[0] if len(outs) == 1 else jnp.concatenate(outs, axis=0)

# --- scband reference (transcript-rebuilt; emitter-appended) ---
"""Pipeline reference for scband-refiner-30219389895258 (READ-ONLY COPY).

The authoritative reference and input builder live on the scoring server;
editing this copy changes nothing except your own understanding.
"""

import jax, jax.numpy as jnp
import numpy as np


def _group(feats, ind):
    # feats: [B, C, N], ind: [B, K, M] -> [B, C, K, M]
    B = feats.shape[0]
    bidx = jnp.arange(B)[:, None, None]
    g = feats[bidx, :, ind]  # advanced indexing -> [B, K, M, C]
    return jnp.transpose(g, (0, 3, 1, 2))


def _conv2d1x1(x, W, b):
    return jnp.einsum('oc,bckm->bokm', W, x) + b[None, :, None, None]


def setup_inputs(seed: int = 0):
    key = jax.random.key(seed)
    ks = jax.random.split(key, 8)
    B, N, C, td, cin = 4, 2048, 128, 64, 262
    return {
        'feature': jax.random.normal(ks[0], (B, C, N), dtype=jnp.float32),
        'xyz': jax.random.normal(ks[1], (B, 3, N), dtype=jnp.float32),
        'Wq': jax.random.normal(ks[2], (td, cin), dtype=jnp.float32) * 0.05,
        'bq': jnp.zeros((td,), dtype=jnp.float32),
        'Wk': jax.random.normal(ks[3], (td, cin), dtype=jnp.float32) * 0.05,
        'bk': jnp.zeros((td,), dtype=jnp.float32),
        'Wv': jax.random.normal(ks[4], (td, cin), dtype=jnp.float32) * 0.05,
        'bv': jnp.zeros((td,), dtype=jnp.float32),
        'Wc': jax.random.normal(ks[5], (C, td), dtype=jnp.float32) * 0.05,
        'bc': jnp.zeros((C,), dtype=jnp.float32),
    }


def reference(feature, xyz, Wq, bq, Wk, bk, Wv, bv, Wc, bc):
    K1, K2 = 17, 8  # self.K1 = 16 + 1
    B, C, N = feature.shape
    # KNN(xyz, xyz): pairwise squared distances, top-K1 nearest (ascending)
    pts = jnp.transpose(xyz, (0, 2, 1))  # [B, N, 3]
    d2 = jnp.sum((pts[:, :, None, :] - pts[:, None, :, :]) ** 2, axis=-1)  # [B, M, N]
    _, nbr = jax.lax.top_k(-d2, K1)  # [B, M, K1], sorted nearest-first
    idx = jnp.transpose(nbr, (0, 2, 1))[:, 1:, :]  # drop self -> [B, K1-1, N]
    idx_1 = idx[:, :K2, :]
    group_xyz = _group(xyz, idx)        # [B, 3, 16, N]
    group_xyz_1 = _group(xyz, idx_1)    # [B, 3, 8, N]
    rel_xyz = group_xyz - xyz[:, :, None, :]
    rel_xyz_1 = group_xyz_1 - xyz[:, :, None, :]
    group_fea = _group(feature, idx)
    group_fea_1 = _group(feature, idx_1)
    rel_feature = group_fea - feature[:, :, None, :]
    rel_feature_1 = group_fea_1 - feature[:, :, None, :]
    xyz_rep = jnp.broadcast_to(xyz[:, :, None, :], (B, 3, K1 - 1, N))
    fea_rep = jnp.broadcast_to(feature[:, :, None, :], (B, C, K1 - 1, N))
    xyz_rep1 = jnp.broadcast_to(xyz[:, :, None, :], (B, 3, K2, N))
    fea_rep1 = jnp.broadcast_to(feature[:, :, None, :], (B, C, K2, N))
    rel_pos = jnp.concatenate([rel_xyz, xyz_rep, rel_feature, fea_rep], axis=1)      # [B, 262, 16, N]
    rel_pos_1 = jnp.concatenate([rel_xyz_1, xyz_rep1, rel_feature_1, fea_rep1], axis=1)  # [B, 262, 8, N]
    q = _conv2d1x1(rel_pos_1, Wq, bq)  # [B, 64, 8, N]
    k = _conv2d1x1(rel_pos, Wk, bk)    # [B, 64, 16, N]
    v = _conv2d1x1(rel_pos, Wv, bv)    # [B, 64, 16, N]
    attn = jnp.einsum('bmnf,bmjf->bnjf', q, k)  # [B, 8, 16, N]
    attn = jax.nn.softmax(attn, axis=2)  # dim=-2 over j
    res = jnp.einsum('bnjf,bmjf->bmf', attn, v)  # [B, 64, N]
    res = jnp.einsum('oc,bcn->bon', Wc, res) + bc[None, :, None]  # conv1d 64->128
    return res + feature

if __name__ == "__main__":
    import jax
    _d = setup_inputs()
    print(jax.jit(kernel)(*tuple(_d.values())))

</pallas_src>

<mosaic_0001>
#map = affine_map<(d0, d1) -> (0, 0)>
#map1 = affine_map<(d0, d1) -> (0)>
module attributes {stable_mosaic.version = 14 : i64} {
  func.func @sc_gather(%arg0: i32, %arg1: i32, %arg2: memref<4096x256xf32, #tpu.memory_space<hbm>>, %arg3: memref<65536xi32, #tpu.memory_space<hbm>>, %arg4: memref<65536x256xf32, #tpu.memory_space<hbm>>, %arg5: memref<128xi32, #tpu.memory_space<vmem>>, %arg6: memref<128x256xf32, #tpu.memory_space<vmem>>, %arg7: memref<!tpu.dma_semaphore, #tpu.memory_space<semaphore_mem>>) attributes {dimension_semantics = [#tpu.dimension_semantics<core_parallel>, #tpu.dimension_semantics<subcore_parallel>], iteration_bounds = array<i64: 2, 16>, scalar_prefetch = 0 : i64, scratch_operands = 3 : i64, tpu.core_type = #tpu.core_type<sc_vector_subcore>, window_params = [{transform_indices = #map}, {transform_indices = #map1}, {transform_indices = #map}]} {
    %mul3A = arith.constant 2 : i32
    %mul3A_0 = arith.muli %arg1, %mul3A : i32
    %add3A = arith.addi %mul3A_0, %arg0 : i32
    %mul3A_1 = arith.constant 2048 : i32
    %mul3A_2 = arith.muli %add3A, %mul3A_1 : i32
    %scan3A = arith.constant 0 : i32
    %scan3A_3 = arith.constant 0 : i32
    %scan3A_4 = arith.constant 16 : i32
    %scan3A_5 = arith.addi %scan3A_3, %scan3A_4 : i32
    %scan3A_6 = arith.constant 1 : i32
    scf.for %scan3A_8 = %scan3A_3 to %scan3A_5 step %scan3A_6  : i32 {
      %mul3A_9 = arith.constant 128 : i32
      %mul3A_10 = arith.muli %scan3A_8, %mul3A_9 : i32
      %add3A_11 = arith.addi %mul3A_2, %mul3A_10 : i32
      "tpu.region"() ({
        %run_scoped3A = tpu.sem_alloc : memref<!tpu.dma_semaphore, #tpu.memory_space<semaphore_mem>>
        %dma_start3A_16 = tpu.memref_slice %arg3[%add3A_11] : memref<65536xi32, #tpu.memory_space<hbm>> -> memref<128xi32, #tpu.memory_space<hbm>>
        %dma_start3A_17 = tpu.memref_slice %arg3[%add3A_11] : memref<65536xi32, #tpu.memory_space<hbm>> -> memref<128xi32, #tpu.memory_space<hbm>>
        tpu.enqueue_dma source(%dma_start3A_17 : memref<128xi32, #tpu.memory_space<hbm>>) target(%arg5 : memref<128xi32, #tpu.memory_space<vmem>>) target_semaphore(%run_scoped3A : memref<!tpu.dma_semaphore, #tpu.memory_space<semaphore_mem>>)
        %dma_wait3A_18 = tpu.memref_slice %arg3[%add3A_11] : memref<65536xi32, #tpu.memory_space<hbm>> -> memref<128xi32, #tpu.memory_space<hbm>>
        %dma_wait3A_19 = tpu.memref_slice %arg3[%add3A_11] : memref<65536xi32, #tpu.memory_space<hbm>> -> memref<128xi32, #tpu.memory_space<hbm>>
        tpu.wait_dma2 semaphore(%run_scoped3A : memref<!tpu.dma_semaphore, #tpu.memory_space<semaphore_mem>>) src(%dma_wait3A_19 : memref<128xi32, #tpu.memory_space<hbm>>) dst(%arg5 : memref<128xi32, #tpu.memory_space<vmem>>)
        tpu.yield
      }) : () -> ()
      %dma_start3A = arith.constant 0 : i32
      %dma_start3A_12 = arith.constant 0 : i32
      %dma_start3A_13 = tpu.memref_slice %arg2[%dma_start3A, %dma_start3A_12] : memref<4096x256xf32, #tpu.memory_space<hbm>> -> memref<4096x256xf32, #tpu.memory_space<hbm>>
      tpu.enqueue_indirect_dma source(%dma_start3A_13 : memref<4096x256xf32, #tpu.memory_space<hbm>>) target(%arg6 : memref<128x256xf32, #tpu.memory_space<vmem>>) offsets(%arg5 : memref<128xi32, #tpu.memory_space<vmem>>) semaphore(%arg7 : memref<!tpu.dma_semaphore, #tpu.memory_space<semaphore_mem>>)
      %dma_wait3A = arith.constant 0 : i32
      %dma_wait3A_14 = arith.constant 0 : i32
      %dma_wait3A_15 = tpu.memref_slice %arg2[%dma_wait3A, %dma_wait3A_14] : memref<4096x256xf32, #tpu.memory_space<hbm>> -> memref<4096x256xf32, #tpu.memory_space<hbm>>
      tpu.wait_indirect_dma semaphore(%arg7 : memref<!tpu.dma_semaphore, #tpu.memory_space<semaphore_mem>>) src(%dma_wait3A_15 : memref<4096x256xf32, #tpu.memory_space<hbm>>) dst(%arg6 : memref<128x256xf32, #tpu.memory_space<vmem>>)
      "tpu.region"() ({
        %run_scoped3A = tpu.sem_alloc : memref<!tpu.dma_semaphore, #tpu.memory_space<semaphore_mem>>
        %dma_start3A_16 = arith.constant 0 : i32
        %dma_start3A_17 = tpu.memref_slice %arg4[%add3A_11, %dma_start3A_16] : memref<65536x256xf32, #tpu.memory_space<hbm>> -> memref<128x256xf32, #tpu.memory_space<hbm>>
        %dma_start3A_18 = arith.constant 0 : i32
        %dma_start3A_19 = tpu.memref_slice %arg4[%add3A_11, %dma_start3A_18] : memref<65536x256xf32, #tpu.memory_space<hbm>> -> memref<128x256xf32, #tpu.memory_space<hbm>>
        tpu.enqueue_dma source(%arg6 : memref<128x256xf32, #tpu.memory_space<vmem>>) target(%dma_start3A_19 : memref<128x256xf32, #tpu.memory_space<hbm>>) target_semaphore(%run_scoped3A : memref<!tpu.dma_semaphore, #tpu.memory_space<semaphore_mem>>)
        %dma_wait3A_20 = arith.constant 0 : i32
        %dma_wait3A_21 = tpu.memref_slice %arg4[%add3A_11, %dma_wait3A_20] : memref<65536x256xf32, #tpu.memory_space<hbm>> -> memref<128x256xf32, #tpu.memory_space<hbm>>
        %dma_wait3A_22 = arith.constant 0 : i32
        %dma_wait3A_23 = tpu.memref_slice %arg4[%add3A_11, %dma_wait3A_22] : memref<65536x256xf32, #tpu.memory_space<hbm>> -> memref<128x256xf32, #tpu.memory_space<hbm>>
        tpu.wait_dma2 semaphore(%run_scoped3A : memref<!tpu.dma_semaphore, #tpu.memory_space<semaphore_mem>>) src(%arg6 : memref<128x256xf32, #tpu.memory_space<vmem>>) dst(%dma_wait3A_23 : memref<128x256xf32, #tpu.memory_space<hbm>>)
        tpu.yield
      }) : () -> ()
    }
    %scan3A_7 = arith.constant 16 : i32
    return
  }
}

#map = affine_map<(d0, d1) -> (0, 0)>
#map1 = affine_map<(d0, d1) -> (0)>
module attributes {stable_mosaic.version = 14 : i64} {
  func.func @sc_gather(%arg0: i32, %arg1: i32, %arg2: memref<4096x256xf32, #tpu.memory_space<hbm>>, %arg3: memref<65536xi32, #tpu.memory_space<hbm>>, %arg4: memref<65536x256xf32, #tpu.memory_space<hbm>>, %arg5: memref<128xi32, #tpu.memory_space<vmem>>, %arg6: memref<128x256xf32, #tpu.memory_space<vmem>>, %arg7: memref<!tpu.dma_semaphore, #tpu.memory_space<semaphore_mem>>) attributes {dimension_semantics = [#tpu.dimension_semantics<core_parallel>, #tpu.dimension_semantics<subcore_parallel>], iteration_bounds = array<i64: 2, 16>, scalar_prefetch = 0 : i64, scratch_operands = 3 : i64, tpu.core_type = #tpu.core_type<sc_vector_subcore>, window_params = [{transform_indices = #map}, {transform_indices = #map1}, {transform_indices = #map}]} {
    %mul3A = arith.constant 2 : i32
    %mul3A_0 = arith.muli %arg1, %mul3A : i32
    %add3A = arith.addi %mul3A_0, %arg0 : i32
    %mul3A_1 = arith.constant 2048 : i32
    %mul3A_2 = arith.muli %add3A, %mul3A_1 : i32
    %scan3A = arith.constant 0 : i32
    %scan3A_3 = arith.constant 0 : i32
    %scan3A_4 = arith.constant 16 : i32
    %scan3A_5 = arith.addi %scan3A_3, %scan3A_4 : i32
    %scan3A_6 = arith.constant 1 : i32
    scf.for %scan3A_8 = %scan3A_3 to %scan3A_5 step %scan3A_6  : i32 {
      %mul3A_9 = arith.constant 128 : i32
      %mul3A_10 = arith.muli %scan3A_8, %mul3A_9 : i32
      %add3A_11 = arith.addi %mul3A_2, %mul3A_10 : i32
      "tpu.region"() ({
        %run_scoped3A = tpu.sem_alloc : memref<!tpu.dma_semaphore, #tpu.memory_space<semaphore_mem>>
        %dma_start3A_16 = tpu.memref_slice %arg3[%add3A_11] : memref<65536xi32, #tpu.memory_space<hbm>> -> memref<128xi32, #tpu.memory_space<hbm>>
        %dma_start3A_17 = tpu.memref_slice %arg3[%add3A_11] : memref<65536xi32, #tpu.memory_space<hbm>> -> memref<128xi32, #tpu.memory_space<hbm>>
        tpu.enqueue_dma source(%dma_start3A_17 : memref<128xi32, #tpu.memory_space<hbm>>) target(%arg5 : memref<128xi32, #tpu.memory_space<vmem>>) target_semaphore(%run_scoped3A : memref<!tpu.dma_semaphore, #tpu.memory_space<semaphore_mem>>)
        %dma_wait3A_18 = tpu.memref_slice %arg3[%add3A_11] : memref<65536xi32, #tpu.memory_space<hbm>> -> memref<128xi32, #tpu.memory_space<hbm>>
        %dma_wait3A_19 = tpu.memref_slice %arg3[%add3A_11] : memref<65536xi32, #tpu.memory_space<hbm>> -> memref<128xi32, #tpu.memory_space<hbm>>
        tpu.wait_dma2 semaphore(%run_scoped3A : memref<!tpu.dma_semaphore, #tpu.memory_space<semaphore_mem>>) src(%dma_wait3A_19 : memref<128xi32, #tpu.memory_space<hbm>>) dst(%arg5 : memref<128xi32, #tpu.memory_space<vmem>>)
        tpu.yield
      }) : () -> ()
      %dma_start3A = arith.constant 0 : i32
      %dma_start3A_12 = arith.constant 0 : i32
      %dma_start3A_13 = tpu.memref_slice %arg2[%dma_start3A, %dma_start3A_12] : memref<4096x256xf32, #tpu.memory_space<hbm>> -> memref<4096x256xf32, #tpu.memory_space<hbm>>
      tpu.enqueue_indirect_dma source(%dma_start3A_13 : memref<4096x256xf32, #tpu.memory_space<hbm>>) target(%arg6 : memref<128x256xf32, #tpu.memory_space<vmem>>) offsets(%arg5 : memref<128xi32, #tpu.memory_space<vmem>>) semaphore(%arg7 : memref<!tpu.dma_semaphore, #tpu.memory_space<semaphore_mem>>)
      %dma_wait3A = arith.constant 0 : i32
      %dma_wait3A_14 = arith.constant 0 : i32
      %dma_wait3A_15 = tpu.memref_slice %arg2[%dma_wait3A, %dma_wait3A_14] : memref<4096x256xf32, #tpu.memory_space<hbm>> -> memref<4096x256xf32, #tpu.memory_space<hbm>>
      tpu.wait_indirect_dma semaphore(%arg7 : memref<!tpu.dma_semaphore, #tpu.memory_space<semaphore_mem>>) src(%dma_wait3A_15 : memref<4096x256xf32, #tpu.memory_space<hbm>>) dst(%arg6 : memref<128x256xf32, #tpu.memory_space<vmem>>)
      "tpu.region"() ({
        %run_scoped3A = tpu.sem_alloc : memref<!tpu.dma_semaphore, #tpu.memory_space<semaphore_mem>>
        %dma_start3A_16 = arith.constant 0 : i32
        %dma_start3A_17 = tpu.memref_slice %arg4[%add3A_11, %dma_start3A_16] : memref<65536x256xf32, #tpu.memory_space<hbm>> -> memref<128x256xf32, #tpu.memory_space<hbm>>
        %dma_start3A_18 = arith.constant 0 : i32
        %dma_start3A_19 = tpu.memref_slice %arg4[%add3A_11, %dma_start3A_18] : memref<65536x256xf32, #tpu.memory_space<hbm>> -> memref<128x256xf32, #tpu.memory_space<hbm>>
        tpu.enqueue_dma source(%arg6 : memref<128x256xf32, #tpu.memory_space<vmem>>) target(%dma_start3A_19 : memref<128x256xf32, #tpu.memory_space<hbm>>) target_semaphore(%run_scoped3A : memref<!tpu.dma_semaphore, #tpu.memory_space<semaphore_mem>>)
        %dma_wait3A_20 = arith.constant 0 : i32
        %dma_wait3A_21 = tpu.memref_slice %arg4[%add3A_11, %dma_wait3A_20] : memref<65536x256xf32, #tpu.memory_space<hbm>> -> memref<128x256xf32, #tpu.memory_space<hbm>>
        %dma_wait3A_22 = arith.constant 0 : i32
        %dma_wait3A_23 = tpu.memref_slice %arg4[%add3A_11, %dma_wait3A_22] : memref<65536x256xf32, #tpu.memory_space<hbm>> -> memref<128x256xf32, #tpu.memory_space<hbm>>
        tpu.wait_dma2 semaphore(%run_scoped3A : memref<!tpu.dma_semaphore, #tpu.memory_space<semaphore_mem>>) src(%arg6 : memref<128x256xf32, #tpu.memory_space<vmem>>) dst(%dma_wait3A_23 : memref<128x256xf32, #tpu.memory_space<hbm>>)
        tpu.yield
      }) : () -> ()
    }
    %scan3A_7 = arith.constant 16 : i32
    return
  }
}

module attributes {stable_mosaic.version = 14 : i64} {
  func.func @_knn_proj_kernel(%arg0: i32, %arg1: i32, %arg2: memref<1x3x2048xf32, #tpu.memory_space<vmem>>, %arg3: memref<1x128x131xf32, #tpu.memory_space<vmem>>, %arg4: memref<192x131xf32, #tpu.memory_space<vmem>>, %arg5: memref<192x131xf32, #tpu.memory_space<vmem>>, %arg6: memref<1x192xf32, #tpu.memory_space<vmem>>, %arg7: memref<1x16x128xi32, #tpu.memory_space<vmem>>, %arg8: memref<1x128x256xf32, #tpu.memory_space<vmem>>, %arg9: memref<1x128x192xf32, #tpu.memory_space<vmem>>) attributes {dimension_semantics = [#tpu.dimension_semantics<arbitrary>, #tpu.dimension_semantics<arbitrary>], iteration_bounds = array<i64: 2, 16>, scalar_prefetch = 0 : i64, scratch_operands = 0 : i64, tpu.core_type = #tpu.core_type<tc>, window_params = [{transform_indices = @transform_0, window_bounds = array<i64: 1, 3, 2048>}, {transform_indices = @transform_1, window_bounds = array<i64: 1, 128, 131>}, {pipeline_mode = #tpu.pipeline_mode<synchronous>, transform_indices = @transform_2, window_bounds = array<i64: 192, 131>}, {pipeline_mode = #tpu.pipeline_mode<synchronous>, transform_indices = @transform_3, window_bounds = array<i64: 192, 131>}, {pipeline_mode = #tpu.pipeline_mode<synchronous>, transform_indices = @transform_4, window_bounds = array<i64: 1, 192>}, {transform_indices = @transform_5, window_bounds = array<i64: 1, 16, 128>}, {transform_indices = @transform_6, window_bounds = array<i64: 1, 128, 256>}, {transform_indices = @transform_7, window_bounds = array<i64: 1, 128, 192>}]} {
    %mul3A = arith.constant 128 : i32
    %mul3A_0 = arith.muli %arg1, %mul3A : i32
    %get3A = arith.constant 0 : index
    %get3A_1 = arith.constant 0 : index
    %get3A_2 = arith.constant 0 : index
    %get3A_3 = vector.load %arg3[%get3A, %get3A_1, %get3A_2] : memref<1x128x131xf32, #tpu.memory_space<vmem>>, vector<1x128x131xf32>
    %get3A_4 = vector.shape_cast %get3A_3 : vector<1x128x131xf32> to vector<128x131xf32>
    %get3A_5 = arith.constant 0 : index
    %get3A_6 = arith.constant 0 : index
    %get3A_7 = arith.constant 0 : index
    %get3A_8 = vector.load %arg2[%get3A_5, %get3A_6, %get3A_7] : memref<1x3x2048xf32, #tpu.memory_space<vmem>>, vector<1x3x2048xf32>
    %get3A_9 = vector.shape_cast %get3A_8 : vector<1x3x2048xf32> to vector<3x2048xf32>
    %broadcast_in_dim3A = arith.constant 0.000000e+00 : f32
    %broadcast_in_dim3A_10 = vector.broadcast %broadcast_in_dim3A : f32 to vector<128x2048xf32>
    %slice3A = vector.extract_strided_slice %get3A_4 {offsets = [0, 0], sizes = [128, 1], strides = [1, 1]} : vector<128x131xf32> to vector<128x1xf32>
    %squeeze3A = vector.shape_cast %slice3A : vector<128x1xf32> to vector<128xf32>
    %broadcast_in_dim3A_11 = vector.shape_cast %squeeze3A : vector<128xf32> to vector<128x1xf32>
    %slice3A_12 = vector.extract_strided_slice %get3A_9 {offsets = [0, 0], sizes = [1, 2048], strides = [1, 1]} : vector<3x2048xf32> to vector<1x2048xf32>
    %squeeze3A_13 = vector.shape_cast %slice3A_12 : vector<1x2048xf32> to vector<2048xf32>
    %broadcast_in_dim3A_14 = vector.shape_cast %squeeze3A_13 : vector<2048xf32> to vector<1x2048xf32>
    %sub3A = vector.broadcast %broadcast_in_dim3A_11 : vector<128x1xf32> to vector<128x2048xf32>
    %sub3A_15 = vector.broadcast %broadcast_in_dim3A_14 : vector<1x2048xf32> to vector<128x2048xf32>
    %sub3A_16 = arith.subf %sub3A, %sub3A_15 : vector<128x2048xf32>
    %mul3A_17 = arith.mulf %sub3A_16, %sub3A_16 : vector<128x2048xf32>
    %add3A = arith.addf %broadcast_in_dim3A_10, %mul3A_17 : vector<128x2048xf32>
    %slice3A_18 = vector.extract_strided_slice %get3A_4 {offsets = [0, 1], sizes = [128, 1], strides = [1, 1]} : vector<128x131xf32> to vector<128x1xf32>
    %squeeze3A_19 = vector.shape_cast %slice3A_18 : vector<128x1xf32> to vector<128xf32>
    %broadcast_in_dim3A_20 = vector.shape_cast %squeeze3A_19 : vector<128xf32> to vector<128x1xf32>
    %slice3A_21 = vector.extract_strided_slice %get3A_9 {offsets = [1, 0], sizes = [1, 2048], strides = [1, 1]} : vector<3x2048xf32> to vector<1x2048xf32>
    %squeeze3A_22 = vector.shape_cast %slice3A_21 : vector<1x2048xf32> to vector<2048xf32>
    %broadcast_in_dim3A_23 = vector.shape_cast %squeeze3A_22 : vector<2048xf32> to vector<1x2048xf32>
    %sub3A_24 = vector.broadcast %broadcast_in_dim3A_20 : vector<128x1xf32> to vector<128x2048xf32>
    %sub3A_25 = vector.broadcast %broadcast_in_dim3A_23 : vector<1x2048xf32> to vector<128x2048xf32>
    %sub3A_26 = arith.subf %sub3A_24, %sub3A_25 : vector<128x2048xf32>
    %mul3A_27 = arith.mulf %sub3A_26, %sub3A_26 : vector<128x2048xf32>
    %add3A_28 = arith.addf %add3A, %mul3A_27 : vector<128x2048xf32>
    %slice3A_29 = vector.extract_strided_slice %get3A_4 {offsets = [0, 2], sizes = [128, 1], strides = [1, 1]} : vector<128x131xf32> to vector<128x1xf32>
    %squeeze3A_30 = vector.shape_cast %slice3A_29 : vector<128x1xf32> to vector<128xf32>
    %broadcast_in_dim3A_31 = vector.shape_cast %squeeze3A_30 : vector<128xf32> to vector<128x1xf32>
    %slice3A_32 = vector.extract_strided_slice %get3A_9 {offsets = [2, 0], sizes = [1, 2048], strides = [1, 1]} : vector<3x2048xf32> to vector<1x2048xf32>
    %squeeze3A_33 = vector.shape_cast %slice3A_32 : vector<1x2048xf32> to vector<2048xf32>
    %broadcast_in_dim3A_34 = vector.shape_cast %squeeze3A_33 : vector<2048xf32> to vector<1x2048xf32>
    %sub3A_35 = vector.broadcast %broadcast_in_dim3A_31 : vector<128x1xf32> to vector<128x2048xf32>
    %sub3A_36 = vector.broadcast %broadcast_in_dim3A_34 : vector<1x2048xf32> to vector<128x2048xf32>
    %sub3A_37 = arith.subf %sub3A_35, %sub3A_36 : vector<128x2048xf32>
    %mul3A_38 = arith.mulf %sub3A_37, %sub3A_37 : vector<128x2048xf32>
    %add3A_39 = arith.addf %add3A_28, %mul3A_38 : vector<128x2048xf32>
    %iota3A = tpu.iota {dimensions = array<i32: 1>} : vector<128x2048xi32>
    %iota3A_40 = tpu.iota {dimensions = array<i32: 0>} : vector<128x2048xi32>
    %add3A_41 = vector.broadcast %mul3A_0 : i32 to vector<128x2048xi32>
    %add3A_42 = arith.addi %iota3A_40, %add3A_41 : vector<128x2048xi32>
    %eq3A = arith.cmpi eq, %iota3A, %add3A_42 : vector<128x2048xi32>
    %jit3A = arith.constant 3.400000e+38 : f32
    %broadcast_in_dim3A_43 = vector.broadcast %jit3A : f32 to vector<128x2048xf32>
    %select_n3A = arith.select %eq3A, %broadcast_in_dim3A_43, %add3A_39 : vector<128x2048xi1>, vector<128x2048xf32>
    %reduce_min3A = arith.constant dense<0x7F800000> : vector<128xf32>
    %reduce_min3A_44 = vector.multi_reduction <minimumf>, %select_n3A, %reduce_min3A [1] : vector<128x2048xf32> to vector<128xf32>
    %broadcast_in_dim3A_45 = vector.shape_cast %reduce_min3A_44 : vector<128xf32> to vector<128x1xf32>
    %le3A = vector.broadcast %broadcast_in_dim3A_45 : vector<128x1xf32> to vector<128x2048xf32>
    %le3A_46 = arith.cmpf ole, %select_n3A, %le3A : vector<128x2048xf32>
    %jit3A_47 = arith.constant 2048 : i32
    %broadcast_in_dim3A_48 = vector.broadcast %jit3A_47 : i32 to vector<128x2048xi32>
    %select_n3A_49 = arith.select %le3A_46, %iota3A, %broadcast_in_dim3A_48 : vector<128x2048xi1>, vector<128x2048xi32>
    %reduce_min3A_50 = arith.constant dense<2147483647> : vector<128xi32>
    %reduce_min3A_51 = vector.multi_reduction <minsi>, %select_n3A_49, %reduce_min3A_50 [1] : vector<128x2048xi32> to vector<128xi32>
    %broadcast_in_dim3A_52 = vector.shape_cast %reduce_min3A_51 : vector<128xi32> to vector<128x1xi32>
    %eq3A_53 = vector.broadcast %broadcast_in_dim3A_52 : vector<128x1xi32> to vector<128x2048xi32>
    %eq3A_54 = arith.cmpi eq, %iota3A, %eq3A_53 : vector<128x2048xi32>
    %jit3A_55 = arith.constant 3.400000e+38 : f32
    %broadcast_in_dim3A_56 = vector.broadcast %jit3A_55 : f32 to vector<128x2048xf32>
    %select_n3A_57 = arith.select %eq3A_54, %broadcast_in_dim3A_56, %select_n3A : vector<128x2048xi1>, vector<128x2048xf32>
    %reduce_min3A_58 = arith.constant dense<0x7F800000> : vector<128xf32>
    %reduce_min3A_59 = vector.multi_reduction <minimumf>, %select_n3A_57, %reduce_min3A_58 [1] : vector<128x2048xf32> to vector<128xf32>
    %broadcast_in_dim3A_60 = vector.shape_cast %reduce_min3A_59 : vector<128xf32> to vector<128x1xf32>
    %le3A_61 = vector.broadcast %broadcast_in_dim3A_60 : vector<128x1xf32> to vector<128x2048xf32>
    %le3A_62 = arith.cmpf ole, %select_n3A_57, %le3A_61 : vector<128x2048xf32>
    %jit3A_63 = arith.constant 2048 : i32
    %broadcast_in_dim3A_64 = vector.broadcast %jit3A_63 : i32 to vector<128x2048xi32>
    %select_n3A_65 = arith.select %le3A_62, %iota3A, %broadcast_in_dim3A_64 : vector<128x2048xi1>, vector<128x2048xi32>
    %reduce_min3A_66 = arith.constant dense<2147483647> : vector<128xi32>
    %reduce_min3A_67 = vector.multi_reduction <minsi>, %select_n3A_65, %reduce_min3A_66 [1] : vector<128x2048xi32> to vector<128xi32>
    %broadcast_in_dim3A_68 = vector.shape_cast %reduce_min3A_67 : vector<128xi32> to vector<128x1xi32>
    %eq3A_69 = vector.broadcast %broadcast_in_dim3A_68 : vector<128x1xi32> to vector<128x2048xi32>
    %eq3A_70 = arith.cmpi eq, %iota3A, %eq3A_69 : vector<128x2048xi32>
    %jit3A_71 = arith.constant 3.400000e+38 : f32
    %broadcast_in_dim3A_72 = vector.broadcast %jit3A_71 : f32 to vector<128x2048xf32>
    %select_n3A_73 = arith.select %eq3A_70, %broadcast_in_dim3A_72, %select_n3A_57 : vector<128x2048xi1>, vector<128x2048xf32>
    %reduce_min3A_74 = arith.constant dense<0x7F800000> : vector<128xf32>
    %reduce_min3A_75 = vector.multi_reduction <minimumf>, %select_n3A_73, %reduce_min3A_74 [1] : vector<128x2048xf32> to vector<128xf32>
    %broadcast_in_dim3A_76 = vector.shape_cast %reduce_min3A_75 : vector<128xf32> to vector<128x1xf32>
    %le3A_77 = vector.broadcast %broadcast_in_dim3A_76 : vector<128x1xf32> to vector<128x2048xf32>
    %le3A_78 = arith.cmpf ole, %select_n3A_73, %le3A_77 : vector<128x2048xf32>
    %jit3A_79 = arith.constant 2048 : i32
    %broadcast_in_dim3A_80 = vector.broadcast %jit3A_79 : i32 to vector<128x2048xi32>
    %select_n3A_81 = arith.select %le3A_78, %iota3A, %broadcast_in_dim3A_80 : vector<128x2048xi1>, vector<128x2048xi32>
    %reduce_min3A_82 = arith.constant dense<2147483647> : vector<128xi32>
    %reduce_min3A_83 = vector.multi_reduction <minsi>, %select_n3A_81, %reduce_min3A_82 [1] : vector<128x2048xi32> to vector<128xi32>
    %broadcast_in_dim3A_84 = vector.shape_cast %reduce_min3A_83 : vector<128xi32> to vector<128x1xi32>
    %eq3A_85 = vector.broadcast %broadcast_in_dim3A_84 : vector<128x1xi32> to vector<128x2048xi32>
    %eq3A_86 = arith.cmpi eq, %iota3A, %eq3A_85 : vector<128x2048xi32>
    %jit3A_87 = arith.constant 3.400000e+38 : f32
    %broadcast_in_dim3A_88 = vector.broadcast %jit3A_87 : f32 to vector<128x2048xf32>
    %select_n3A_89 = arith.select %eq3A_86, %broadcast_in_dim3A_88, %select_n3A_73 : vector<128x2048xi1>, vector<128x2048xf32>
    %reduce_min3A_90 = arith.constant dense<0x7F800000> : vector<128xf32>
    %reduce_min3A_91 = vector.multi_reduction <minimumf>, %select_n3A_89, %reduce_min3A_90 [1] : vector<128x2048xf32> to vector<128xf32>
    %broadcast_in_dim3A_92 = vector.shape_cast %reduce_min3A_91 : vector<128xf32> to vector<128x1xf32>
    %le3A_93 = vector.broadcast %broadcast_in_dim3A_92 : vector<128x1xf32> to vector<128x2048xf32>
    %le3A_94 = arith.cmpf ole, %select_n3A_89, %le3A_93 : vector<128x2048xf32>
    %jit3A_95 = arith.constant 2048 : i32
    %broadcast_in_dim3A_96 = vector.broadcast %jit3A_95 : i32 to vector<128x2048xi32>
    %select_n3A_97 = arith.select %le3A_94, %iota3A, %broadcast_in_dim3A_96 : vector<128x2048xi1>, vector<128x2048xi32>
    %reduce_min3A_98 = arith.constant dense<2147483647> : vector<128xi32>
    %reduce_min3A_99 = vector.multi_reduction <minsi>, %select_n3A_97, %reduce_min3A_98 [1] : vector<128x2048xi32> to vector<128xi32>
    %broadcast_in_dim3A_100 = vector.shape_cast %reduce_min3A_99 : vector<128xi32> to vector<128x1xi32>
    %eq3A_101 = vector.broadcast %broadcast_in_dim3A_100 : vector<128x1xi32> to vector<128x2048xi32>
    %eq3A_102 = arith.cmpi eq, %iota3A, %eq3A_101 : vector<128x2048xi32>
    %jit3A_103 = arith.constant 3.400000e+38 : f32
    %broadcast_in_dim3A_104 = vector.broadcast %jit3A_103 : f32 to vector<128x2048xf32>
    %select_n3A_105 = arith.select %eq3A_102, %broadcast_in_dim3A_104, %select_n3A_89 : vector<128x2048xi1>, vector<128x2048xf32>
    %reduce_min3A_106 = arith.constant dense<0x7F800000> : vector<128xf32>
    %reduce_min3A_107 = vector.multi_reduction <minimumf>, %select_n3A_105, %reduce_min3A_106 [1] : vector<128x2048xf32> to vector<128xf32>
    %broadcast_in_dim3A_108 = vector.shape_cast %reduce_min3A_107 : vector<128xf32> to vector<128x1xf32>
    %le3A_109 = vector.broadcast %broadcast_in_dim3A_108 : vector<128x1xf32> to vector<128x2048xf32>
    %le3A_110 = arith.cmpf ole, %select_n3A_105, %le3A_109 : vector<128x2048xf32>
    %jit3A_111 = arith.constant 2048 : i32
    %broadcast_in_dim3A_112 = vector.broadcast %jit3A_111 : i32 to vector<128x2048xi32>
    %select_n3A_113 = arith.select %le3A_110, %iota3A, %broadcast_in_dim3A_112 : vector<128x2048xi1>, vector<128x2048xi32>
    %reduce_min3A_114 = arith.constant dense<2147483647> : vector<128xi32>
    %reduce_min3A_115 = vector.multi_reduction <minsi>, %select_n3A_113, %reduce_min3A_114 [1] : vector<128x2048xi32> to vector<128xi32>
    %broadcast_in_dim3A_116 = vector.shape_cast %reduce_min3A_115 : vector<128xi32> to vector<128x1xi32>
    %eq3A_117 = vector.broadcast %broadcast_in_dim3A_116 : vector<128x1xi32> to vector<128x2048xi32>
    %eq3A_118 = arith.cmpi eq, %iota3A, %eq3A_117 : vector<128x2048xi32>
    %jit3A_119 = arith.constant 3.400000e+38 : f32
    %broadcast_in_dim3A_120 = vector.broadcast %jit3A_119 : f32 to vector<128x2048xf32>
    %select_n3A_121 = arith.select %eq3A_118, %broadcast_in_dim3A_120, %select_n3A_105 : vector<128x2048xi1>, vector<128x2048xf32>
    %reduce_min3A_122 = arith.constant dense<0x7F800000> : vector<128xf32>
    %reduce_min3A_123 = vector.multi_reduction <minimumf>, %select_n3A_121, %reduce_min3A_122 [1] : vector<128x2048xf32> to vector<128xf32>
    %broadcast_in_dim3A_124 = vector.shape_cast %reduce_min3A_123 : vector<128xf32> to vector<128x1xf32>
    %le3A_125 = vector.broadcast %broadcast_in_dim3A_124 : vector<128x1xf32> to vector<128x2048xf32>
    %le3A_126 = arith.cmpf ole, %select_n3A_121, %le3A_125 : vector<128x2048xf32>
    %jit3A_127 = arith.constant 2048 : i32
    %broadcast_in_dim3A_128 = vector.broadcast %jit3A_127 : i32 to vector<128x2048xi32>
    %select_n3A_129 = arith.select %le3A_126, %iota3A, %broadcast_in_dim3A_128 : vector<128x2048xi1>, vector<128x2048xi32>
    %reduce_min3A_130 = arith.constant dense<2147483647> : vector<128xi32>
    %reduce_min3A_131 = vector.multi_reduction <minsi>, %select_n3A_129, %reduce_min3A_130 [1] : vector<128x2048xi32> to vector<128xi32>
    %broadcast_in_dim3A_132 = vector.shape_cast %reduce_min3A_131 : vector<128xi32> to vector<128x1xi32>
    %eq3A_133 = vector.broadcast %broadcast_in_dim3A_132 : vector<128x1xi32> to vector<128x2048xi32>
    %eq3A_134 = arith.cmpi eq, %iota3A, %eq3A_133 : vector<128x2048xi32>
    %jit3A_135 = arith.constant 3.400000e+38 : f32
    %broadcast_in_dim3A_136 = vector.broadcast %jit3A_135 : f32 to vector<128x2048xf32>
    %select_n3A_137 = arith.select %eq3A_134, %broadcast_in_dim3A_136, %select_n3A_121 : vector<128x2048xi1>, vector<128x2048xf32>
    %reduce_min3A_138 = arith.constant dense<0x7F800000> : vector<128xf32>
    %reduce_min3A_139 = vector.multi_reduction <minimumf>, %select_n3A_137, %reduce_min3A_138 [1] : vector<128x2048xf32> to vector<128xf32>
    %broadcast_in_dim3A_140 = vector.shape_cast %reduce_min3A_139 : vector<128xf32> to vector<128x1xf32>
    %le3A_141 = vector.broadcast %broadcast_in_dim3A_140 : vector<128x1xf32> to vector<128x2048xf32>
    %le3A_142 = arith.cmpf ole, %select_n3A_137, %le3A_141 : vector<128x2048xf32>
    %jit3A_143 = arith.constant 2048 : i32
    %broadcast_in_dim3A_144 = vector.broadcast %jit3A_143 : i32 to vector<128x2048xi32>
    %select_n3A_145 = arith.select %le3A_142, %iota3A, %broadcast_in_dim3A_144 : vector<128x2048xi1>, vector<128x2048xi32>
    %reduce_min3A_146 = arith.constant dense<2147483647> : vector<128xi32>
    %reduce_min3A_147 = vector.multi_reduction <minsi>, %select_n3A_145, %reduce_min3A_146 [1] : vector<128x2048xi32> to vector<128xi32>
    %broadcast_in_dim3A_148 = vector.shape_cast %reduce_min3A_147 : vector<128xi32> to vector<128x1xi32>
    %eq3A_149 = vector.broadcast %broadcast_in_dim3A_148 : vector<128x1xi32> to vector<128x2048xi32>
    %eq3A_150 = arith.cmpi eq, %iota3A, %eq3A_149 : vector<128x2048xi32>
    %jit3A_151 = arith.constant 3.400000e+38 : f32
    %broadcast_in_dim3A_152 = vector.broadcast %jit3A_151 : f32 to vector<128x2048xf32>
    %select_n3A_153 = arith.select %eq3A_150, %broadcast_in_dim3A_152, %select_n3A_137 : vector<128x2048xi1>, vector<128x2048xf32>
    %reduce_min3A_154 = arith.constant dense<0x7F800000> : vector<128xf32>
    %reduce_min3A_155 = vector.multi_reduction <minimumf>, %select_n3A_153, %reduce_min3A_154 [1] : vector<128x2048xf32> to vector<128xf32>
    %broadcast_in_dim3A_156 = vector.shape_cast %reduce_min3A_155 : vector<128xf32> to vector<128x1xf32>
    %le3A_157 = vector.broadcast %broadcast_in_dim3A_156 : vector<128x1xf32> to vector<128x2048xf32>
    %le3A_158 = arith.cmpf ole, %select_n3A_153, %le3A_157 : vector<128x2048xf32>
    %jit3A_159 = arith.constant 2048 : i32
    %broadcast_in_dim3A_160 = vector.broadcast %jit3A_159 : i32 to vector<128x2048xi32>
    %select_n3A_161 = arith.select %le3A_158, %iota3A, %broadcast_in_dim3A_160 : vector<128x2048xi1>, vector<128x2048xi32>
    %reduce_min3A_162 = arith.constant dense<2147483647> : vector<128xi32>
    %reduce_min3A_163 = vector.multi_reduction <minsi>, %select_n3A_161, %reduce_min3A_162 [1] : vector<128x2048xi32> to vector<128xi32>
    %broadcast_in_dim3A_164 = vector.shape_cast %reduce_min3A_163 : vector<128xi32> to vector<128x1xi32>
    %eq3A_165 = vector.broadcast %broadcast_in_dim3A_164 : vector<128x1xi32> to vector<128x2048xi32>
    %eq3A_166 = arith.cmpi eq, %iota3A, %eq3A_165 : vector<128x2048xi32>
    %jit3A_167 = arith.constant 3.400000e+38 : f32
    %broadcast_in_dim3A_168 = vector.broadcast %jit3A_167 : f32 to vector<128x2048xf32>
    %select_n3A_169 = arith.select %eq3A_166, %broadcast_in_dim3A_168, %select_n3A_153 : vector<128x2048xi1>, vector<128x2048xf32>
    %reduce_min3A_170 = arith.constant dense<0x7F800000> : vector<128xf32>
    %reduce_min3A_171 = vector.multi_reduction <minimumf>, %select_n3A_169, %reduce_min3A_170 [1] : vector<128x2048xf32> to vector<128xf32>
    %broadcast_in_dim3A_172 = vector.shape_cast %reduce_min3A_171 : vector<128xf32> to vector<128x1xf32>
    %le3A_173 = vector.broadcast %broadcast_in_dim3A_172 : vector<128x1xf32> to vector<128x2048xf32>
    %le3A_174 = arith.cmpf ole, %select_n3A_169, %le3A_173 : vector<128x2048xf32>
    %jit3A_175 = arith.constant 2048 : i32
    %broadcast_in_dim3A_176 = vector.broadcast %jit3A_175 : i32 to vector<128x2048xi32>
    %select_n3A_177 = arith.select %le3A_174, %iota3A, %broadcast_in_dim3A_176 : vector<128x2048xi1>, vector<128x2048xi32>
    %reduce_min3A_178 = arith.constant dense<2147483647> : vector<128xi32>
    %reduce_min3A_179 = vector.multi_reduction <minsi>, %select_n3A_177, %reduce_min3A_178 [1] : vector<128x2048xi32> to vector<128xi32>
    %broadcast_in_dim3A_180 = vector.shape_cast %reduce_min3A_179 : vector<128xi32> to vector<128x1xi32>
    %eq3A_181 = vector.broadcast %broadcast_in_dim3A_180 : vector<128x1xi32> to vector<128x2048xi32>
    %eq3A_182 = arith.cmpi eq, %iota3A, %eq3A_181 : vector<128x2048xi32>
    %jit3A_183 = arith.constant 3.400000e+38 : f32
    %broadcast_in_dim3A_184 = vector.broadcast %jit3A_183 : f32 to vector<128x2048xf32>
    %select_n3A_185 = arith.select %eq3A_182, %broadcast_in_dim3A_184, %select_n3A_169 : vector<128x2048xi1>, vector<128x2048xf32>
    %reduce_min3A_186 = arith.constant dense<0x7F800000> : vector<128xf32>
    %reduce_min3A_187 = vector.multi_reduction <minimumf>, %select_n3A_185, %reduce_min3A_186 [1] : vector<128x2048xf32> to vector<128xf32>
    %broadcast_in_dim3A_188 = vector.shape_cast %reduce_min3A_187 : vector<128xf32> to vector<128x1xf32>
    %le3A_189 = vector.broadcast %broadcast_in_dim3A_188 : vector<128x1xf32> to vector<128x2048xf32>
    %le3A_190 = arith.cmpf ole, %select_n3A_185, %le3A_189 : vector<128x2048xf32>
    %jit3A_191 = arith.constant 2048 : i32
    %broadcast_in_dim3A_192 = vector.broadcast %jit3A_191 : i32 to vector<128x2048xi32>
    %select_n3A_193 = arith.select %le3A_190, %iota3A, %broadcast_in_dim3A_192 : vector<128x2048xi1>, vector<128x2048xi32>
    %reduce_min3A_194 = arith.constant dense<2147483647> : vector<128xi32>
    %reduce_min3A_195 = vector.multi_reduction <minsi>, %select_n3A_193, %reduce_min3A_194 [1] : vector<128x2048xi32> to vector<128xi32>
    %broadcast_in_dim3A_196 = vector.shape_cast %reduce_min3A_195 : vector<128xi32> to vector<128x1xi32>
    %eq3A_197 = vector.broadcast %broadcast_in_dim3A_196 : vector<128x1xi32> to vector<128x2048xi32>
    %eq3A_198 = arith.cmpi eq, %iota3A, %eq3A_197 : vector<128x2048xi32>
    %jit3A_199 = arith.constant 3.400000e+38 : f32
    %broadcast_in_dim3A_200 = vector.broadcast %jit3A_199 : f32 to vector<128x2048xf32>
    %select_n3A_201 = arith.select %eq3A_198, %broadcast_in_dim3A_200, %select_n3A_185 : vector<128x2048xi1>, vector<128x2048xf32>
    %reduce_min3A_202 = arith.constant dense<0x7F800000> : vector<128xf32>
    %reduce_min3A_203 = vector.multi_reduction <minimumf>, %select_n3A_201, %reduce_min3A_202 [1] : vector<128x2048xf32> to vector<128xf32>
    %broadcast_in_dim3A_204 = vector.shape_cast %reduce_min3A_203 : vector<128xf32> to vector<128x1xf32>
    %le3A_205 = vector.broadcast %broadcast_in_dim3A_204 : vector<128x1xf32> to vector<128x2048xf32>
    %le3A_206 = arith.cmpf ole, %select_n3A_201, %le3A_205 : vector<128x2048xf32>
    %jit3A_207 = arith.constant 2048 : i32
    %broadcast_in_dim3A_208 = vector.broadcast %jit3A_207 : i32 to vector<128x2048xi32>
    %select_n3A_209 = arith.select %le3A_206, %iota3A, %broadcast_in_dim3A_208 : vector<128x2048xi1>, vector<128x2048xi32>
    %reduce_min3A_210 = arith.constant dense<2147483647> : vector<128xi32>
    %reduce_min3A_211 = vector.multi_reduction <minsi>, %select_n3A_209, %reduce_min3A_210 [1] : vector<128x2048xi32> to vector<128xi32>
    %broadcast_in_dim3A_212 = vector.shape_cast %reduce_min3A_211 : vector<128xi32> to vector<128x1xi32>
    %eq3A_213 = vector.broadcast %broadcast_in_dim3A_212 : vector<128x1xi32> to vector<128x2048xi32>
    %eq3A_214 = arith.cmpi eq, %iota3A, %eq3A_213 : vector<128x2048xi32>
    %jit3A_215 = arith.constant 3.400000e+38 : f32
    %broadcast_in_dim3A_216 = vector.broadcast %jit3A_215 : f32 to vector<128x2048xf32>
    %select_n3A_217 = arith.select %eq3A_214, %broadcast_in_dim3A_216, %select_n3A_201 : vector<128x2048xi1>, vector<128x2048xf32>
    %reduce_min3A_218 = arith.constant dense<0x7F800000> : vector<128xf32>
    %reduce_min3A_219 = vector.multi_reduction <minimumf>, %select_n3A_217, %reduce_min3A_218 [1] : vector<128x2048xf32> to vector<128xf32>
    %broadcast_in_dim3A_220 = vector.shape_cast %reduce_min3A_219 : vector<128xf32> to vector<128x1xf32>
    %le3A_221 = vector.broadcast %broadcast_in_dim3A_220 : vector<128x1xf32> to vector<128x2048xf32>
    %le3A_222 = arith.cmpf ole, %select_n3A_217, %le3A_221 : vector<128x2048xf32>
    %jit3A_223 = arith.constant 2048 : i32
    %broadcast_in_dim3A_224 = vector.broadcast %jit3A_223 : i32 to vector<128x2048xi32>
    %select_n3A_225 = arith.select %le3A_222, %iota3A, %broadcast_in_dim3A_224 : vector<128x2048xi1>, vector<128x2048xi32>
    %reduce_min3A_226 = arith.constant dense<2147483647> : vector<128xi32>
    %reduce_min3A_227 = vector.multi_reduction <minsi>, %select_n3A_225, %reduce_min3A_226 [1] : vector<128x2048xi32> to vector<128xi32>
    %broadcast_in_dim3A_228 = vector.shape_cast %reduce_min3A_227 : vector<128xi32> to vector<128x1xi32>
    %eq3A_229 = vector.broadcast %broadcast_in_dim3A_228 : vector<128x1xi32> to vector<128x2048xi32>
    %eq3A_230 = arith.cmpi eq, %iota3A, %eq3A_229 : vector<128x2048xi32>
    %jit3A_231 = arith.constant 3.400000e+38 : f32
    %broadcast_in_dim3A_232 = vector.broadcast %jit3A_231 : f32 to vector<128x2048xf32>
    %select_n3A_233 = arith.select %eq3A_230, %broadcast_in_dim3A_232, %select_n3A_217 : vector<128x2048xi1>, vector<128x2048xf32>
    %reduce_min3A_234 = arith.constant dense<0x7F800000> : vector<128xf32>
    %reduce_min3A_235 = vector.multi_reduction <minimumf>, %select_n3A_233, %reduce_min3A_234 [1] : vector<128x2048xf32> to vector<128xf32>
    %broadcast_in_dim3A_236 = vector.shape_cast %reduce_min3A_235 : vector<128xf32> to vector<128x1xf32>
    %le3A_237 = vector.broadcast %broadcast_in_dim3A_236 : vector<128x1xf32> to vector<128x2048xf32>
    %le3A_238 = arith.cmpf ole, %select_n3A_233, %le3A_237 : vector<128x2048xf32>
    %jit3A_239 = arith.constant 2048 : i32
    %broadcast_in_dim3A_240 = vector.broadcast %jit3A_239 : i32 to vector<128x2048xi32>
    %select_n3A_241 = arith.select %le3A_238, %iota3A, %broadcast_in_dim3A_240 : vector<128x2048xi1>, vector<128x2048xi32>
    %reduce_min3A_242 = arith.constant dense<2147483647> : vector<128xi32>
    %reduce_min3A_243 = vector.multi_reduction <minsi>, %select_n3A_241, %reduce_min3A_242 [1] : vector<128x2048xi32> to vector<128xi32>
    %broadcast_in_dim3A_244 = vector.shape_cast %reduce_min3A_243 : vector<128xi32> to vector<128x1xi32>
    %eq3A_245 = vector.broadcast %broadcast_in_dim3A_244 : vector<128x1xi32> to vector<128x2048xi32>
    %eq3A_246 = arith.cmpi eq, %iota3A, %eq3A_245 : vector<128x2048xi32>
    %jit3A_247 = arith.constant 3.400000e+38 : f32
    %broadcast_in_dim3A_248 = vector.broadcast %jit3A_247 : f32 to vector<128x2048xf32>
    %select_n3A_249 = arith.select %eq3A_246, %broadcast_in_dim3A_248, %select_n3A_233 : vector<128x2048xi1>, vector<128x2048xf32>
    %reduce_min3A_250 = arith.constant dense<0x7F800000> : vector<128xf32>
    %reduce_min3A_251 = vector.multi_reduction <minimumf>, %select_n3A_249, %reduce_min3A_250 [1] : vector<128x2048xf32> to vector<128xf32>
    %broadcast_in_dim3A_252 = vector.shape_cast %reduce_min3A_251 : vector<128xf32> to vector<128x1xf32>
    %le3A_253 = vector.broadcast %broadcast_in_dim3A_252 : vector<128x1xf32> to vector<128x2048xf32>
    %le3A_254 = arith.cmpf ole, %select_n3A_249, %le3A_253 : vector<128x2048xf32>
    %jit3A_255 = arith.constant 2048 : i32
    %broadcast_in_dim3A_256 = vector.broadcast %jit3A_255 : i32 to vector<128x2048xi32>
    %select_n3A_257 = arith.select %le3A_254, %iota3A, %broadcast_in_dim3A_256 : vector<128x2048xi1>, vector<128x2048xi32>
    %reduce_min3A_258 = arith.constant dense<2147483647> : vector<128xi32>
    %reduce_min3A_259 = vector.multi_reduction <minsi>, %select_n3A_257, %reduce_min3A_258 [1] : vector<128x2048xi32> to vector<128xi32>
    %broadcast_in_dim3A_260 = vector.shape_cast %reduce_min3A_259 : vector<128xi32> to vector<128x1xi32>
    %eq3A_261 = vector.broadcast %broadcast_in_dim3A_260 : vector<128x1xi32> to vector<128x2048xi32>
    %eq3A_262 = arith.cmpi eq, %iota3A, %eq3A_261 : vector<128x2048xi32>
    %jit3A_263 = arith.constant 3.400000e+38 : f32
    %broadcast_in_dim3A_264 = vector.broadcast %jit3A_263 : f32 to vector<128x2048xf32>
    %select_n3A_265 = arith.select %eq3A_262, %broadcast_in_dim3A_264, %select_n3A_249 : vector<128x2048xi1>, vector<128x2048xf32>
    %reduce_min3A_266 = arith.constant dense<0x7F800000> : vector<128xf32>
    %reduce_min3A_267 = vector.multi_reduction <minimumf>, %select_n3A_265, %reduce_min3A_266 [1] : vector<128x2048xf32> to vector<128xf32>
    %broadcast_in_dim3A_268 = vector.shape_cast %reduce_min3A_267 : vector<128xf32> to vector<128x1xf32>
    %le3A_269 = vector.broadcast %broadcast_in_dim3A_268 : vector<128x1xf32> to vector<128x2048xf32>
    %le3A_270 = arith.cmpf ole, %select_n3A_265, %le3A_269 : vector<128x2048xf32>
    %jit3A_271 = arith.constant 2048 : i32
    %broadcast_in_dim3A_272 = vector.broadcast %jit3A_271 : i32 to vector<128x2048xi32>
    %select_n3A_273 = arith.select %le3A_270, %iota3A, %broadcast_in_dim3A_272 : vector<128x2048xi1>, vector<128x2048xi32>
    %reduce_min3A_274 = arith.constant dense<2147483647> : vector<128xi32>
    %reduce_min3A_275 = vector.multi_reduction <minsi>, %select_n3A_273, %reduce_min3A_274 [1] : vector<128x2048xi32> to vector<128xi32>
    %broadcast_in_dim3A_276 = vector.shape_cast %reduce_min3A_275 : vector<128xi32> to vector<128x1xi32>
    %eq3A_277 = vector.broadcast %broadcast_in_dim3A_276 : vector<128x1xi32> to vector<128x2048xi32>
    %eq3A_278 = arith.cmpi eq, %iota3A, %eq3A_277 : vector<128x2048xi32>
    %jit3A_279 = arith.constant 3.400000e+38 : f32
    %broadcast_in_dim3A_280 = vector.broadcast %jit3A_279 : f32 to vector<128x2048xf32>
    %select_n3A_281 = arith.select %eq3A_278, %broadcast_in_dim3A_280, %select_n3A_265 : vector<128x2048xi1>, vector<128x2048xf32>
    %reduce_min3A_282 = arith.constant dense<0x7F800000> : vector<128xf32>
    %reduce_min3A_283 = vector.multi_reduction <minimumf>, %select_n3A_281, %reduce_min3A_282 [1] : vector<128x2048xf32> to vector<128xf32>
    %broadcast_in_dim3A_284 = vector.shape_cast %reduce_min3A_283 : vector<128xf32> to vector<128x1xf32>
    %le3A_285 = vector.broadcast %broadcast_in_dim3A_284 : vector<128x1xf32> to vector<128x2048xf32>
    %le3A_286 = arith.cmpf ole, %select_n3A_281, %le3A_285 : vector<128x2048xf32>
    %jit3A_287 = arith.constant 2048 : i32
    %broadcast_in_dim3A_288 = vector.broadcast %jit3A_287 : i32 to vector<128x2048xi32>
    %select_n3A_289 = arith.select %le3A_286, %iota3A, %broadcast_in_dim3A_288 : vector<128x2048xi1>, vector<128x2048xi32>
    %reduce_min3A_290 = arith.constant dense<2147483647> : vector<128xi32>
    %reduce_min3A_291 = vector.multi_reduction <minsi>, %select_n3A_289, %reduce_min3A_290 [1] : vector<128x2048xi32> to vector<128xi32>
    %stack3A = vector.shape_cast %reduce_min3A_51 : vector<128xi32> to vector<1x128xi32>
    %stack3A_292 = vector.shape_cast %reduce_min3A_67 : vector<128xi32> to vector<1x128xi32>
    %stack3A_293 = vector.shape_cast %reduce_min3A_83 : vector<128xi32> to vector<1x128xi32>
    %stack3A_294 = vector.shape_cast %reduce_min3A_99 : vector<128xi32> to vector<1x128xi32>
    %stack3A_295 = vector.shape_cast %reduce_min3A_115 : vector<128xi32> to vector<1x128xi32>
    %stack3A_296 = vector.shape_cast %reduce_min3A_131 : vector<128xi32> to vector<1x128xi32>
    %stack3A_297 = vector.shape_cast %reduce_min3A_147 : vector<128xi32> to vector<1x128xi32>
    %stack3A_298 = vector.shape_cast %reduce_min3A_163 : vector<128xi32> to vector<1x128xi32>
    %stack3A_299 = vector.shape_cast %reduce_min3A_179 : vector<128xi32> to vector<1x128xi32>
    %stack3A_300 = vector.shape_cast %reduce_min3A_195 : vector<128xi32> to vector<1x128xi32>
    %stack3A_301 = vector.shape_cast %reduce_min3A_211 : vector<128xi32> to vector<1x128xi32>
    %stack3A_302 = vector.shape_cast %reduce_min3A_227 : vector<128xi32> to vector<1x128xi32>
    %stack3A_303 = vector.shape_cast %reduce_min3A_243 : vector<128xi32> to vector<1x128xi32>
    %stack3A_304 = vector.shape_cast %reduce_min3A_259 : vector<128xi32> to vector<1x128xi32>
    %stack3A_305 = vector.shape_cast %reduce_min3A_275 : vector<128xi32> to vector<1x128xi32>
    %stack3A_306 = vector.shape_cast %reduce_min3A_291 : vector<128xi32> to vector<1x128xi32>
    %stack3A_307 = tpu.concatenate %stack3A, %stack3A_292, %stack3A_293, %stack3A_294, %stack3A_295, %stack3A_296, %stack3A_297, %stack3A_298, %stack3A_299, %stack3A_300, %stack3A_301, %stack3A_302, %stack3A_303, %stack3A_304, %stack3A_305, %stack3A_306 in 0 : vector<1x128xi32>, vector<1x128xi32>, vector<1x128xi32>, vector<1x128xi32>, vector<1x128xi32>, vector<1x128xi32>, vector<1x128xi32>, vector<1x128xi32>, vector<1x128xi32>, vector<1x128xi32>, vector<1x128xi32>, vector<1x128xi32>, vector<1x128xi32>, vector<1x128xi32>, vector<1x128xi32>, vector<1x128xi32> -> vector<16x128xi32>
    %mul3A_308 = arith.constant 2048 : i32
    %mul3A_309 = arith.muli %arg0, %mul3A_308 : i32
    %add3A_310 = vector.broadcast %mul3A_309 : i32 to vector<16x128xi32>
    %add3A_311 = arith.addi %stack3A_307, %add3A_310 : vector<16x128xi32>
    %swap3A = arith.constant 0 : index
    %swap3A_312 = arith.constant 0 : index
    %swap3A_313 = arith.constant 0 : index
    %swap3A_314 = vector.load %arg7[%swap3A, %swap3A_312, %swap3A_313] : memref<1x16x128xi32, #tpu.memory_space<vmem>>, vector<1x16x128xi32>
    %swap3A_315 = vector.shape_cast %swap3A_314 : vector<1x16x128xi32> to vector<16x128xi32>
    %swap3A_316 = vector.shape_cast %add3A_311 : vector<16x128xi32> to vector<1x16x128xi32>
    tpu.vector_store %arg7[%swap3A, %swap3A_312, %swap3A_313], %swap3A_316 {strides = array<i32>} : memref<1x16x128xi32, #tpu.memory_space<vmem>>, vector<1x16x128xi32>,
    %get3A_317 = arith.constant 0 : index
    %get3A_318 = arith.constant 0 : index
    %get3A_319 = vector.load %arg4[%get3A_317, %get3A_318] : memref<192x131xf32, #tpu.memory_space<vmem>>, vector<192x131xf32>
    %dot_general3A = arith.constant dense<0.000000e+00> : vector<128x192xf32>
    %dot_general3A_320 = tpu.matmul %get3A_4, %get3A_319, %dot_general3A {dimension_numbers = #tpu.dot_dimension_numbers<[1], [1], [0], [0], [0, 0, 1, 0], [], []>, transpose_lhs_hint = false} : vector<128x131xf32>, vector<192x131xf32>, vector<128x192xf32> -> vector<128x192xf32>
    %broadcast_in_dim3A_321 = arith.constant 0.000000e+00 : f32
    %broadcast_in_dim3A_322 = vector.broadcast %broadcast_in_dim3A_321 : f32 to vector<128x64xf32>
    %concatenate3A = tpu.concatenate %dot_general3A_320, %broadcast_in_dim3A_322 in 1 : vector<128x192xf32>, vector<128x64xf32> -> vector<128x256xf32>
    %swap3A_323 = arith.constant 0 : index
    %swap3A_324 = arith.constant 0 : index
    %swap3A_325 = arith.constant 0 : index
    %swap3A_326 = vector.load %arg8[%swap3A_323, %swap3A_324, %swap3A_325] : memref<1x128x256xf32, #tpu.memory_space<vmem>>, vector<1x128x256xf32>
    %swap3A_327 = vector.shape_cast %swap3A_326 : vector<1x128x256xf32> to vector<128x256xf32>
    %swap3A_328 = vector.shape_cast %concatenate3A : vector<128x256xf32> to vector<1x128x256xf32>
    tpu.vector_store %arg8[%swap3A_323, %swap3A_324, %swap3A_325], %swap3A_328 {strides = array<i32>} : memref<1x128x256xf32, #tpu.memory_space<vmem>>, vector<1x128x256xf32>,
    %get3A_329 = arith.constant 0 : index
    %get3A_330 = arith.constant 0 : index
    %get3A_331 = vector.load %arg5[%get3A_329, %get3A_330] : memref<192x131xf32, #tpu.memory_space<vmem>>, vector<192x131xf32>
    %dot_general3A_332 = arith.constant dense<0.000000e+00> : vector<128x192xf32>
    %dot_general3A_333 = tpu.matmul %get3A_4, %get3A_331, %dot_general3A_332 {dimension_numbers = #tpu.dot_dimension_numbers<[1], [1], [0], [0], [0, 0, 1, 0], [], []>, transpose_lhs_hint = false} : vector<128x131xf32>, vector<192x131xf32>, vector<128x192xf32> -> vector<128x192xf32>
    %get3A_334 = arith.constant 0 : index
    %get3A_335 = arith.constant 0 : index
    %get3A_336 = vector.load %arg6[%get3A_334, %get3A_335] : memref<1x192xf32, #tpu.memory_space<vmem>>, vector<1x192xf32>
    %add3A_337 = vector.broadcast %get3A_336 : vector<1x192xf32> to vector<128x192xf32>
    %add3A_338 = arith.addf %dot_general3A_333, %add3A_337 : vector<128x192xf32>
    %swap3A_339 = arith.constant 0 : index
    %swap3A_340 = arith.constant 0 : index
    %swap3A_341 = arith.constant 0 : index
    %swap3A_342 = vector.load %arg9[%swap3A_339, %swap3A_340, %swap3A_341] : memref<1x128x192xf32, #tpu.memory_space<vmem>>, vector<1x128x192xf32>
    %swap3A_343 = vector.shape_cast %swap3A_342 : vector<1x128x192xf32> to vector<128x192xf32>
    %swap3A_344 = vector.shape_cast %add3A_338 : vector<128x192xf32> to vector<1x128x192xf32>
    tpu.vector_store %arg9[%swap3A_339, %swap3A_340, %swap3A_341], %swap3A_344 {strides = array<i32>} : memref<1x128x192xf32, #tpu.memory_space<vmem>>, vector<1x128x192xf32>,
    return
  }
  func.func @transform_0(%arg0: i32, %arg1: i32) -> (i32, i32, i32) {
    %c0_i32 = arith.constant 0 : i32
    %c0_i32_0 = arith.constant 0 : i32
    %c0_i32_1 = arith.constant 0 : i32
    return %arg0, %c0_i32, %c0_i32_0 : i32, i32, i32
  }
  func.func @transform_1(%arg0: i32, %arg1: i32) -> (i32, i32, i32) {
    %c0_i32 = arith.constant 0 : i32
    %c0_i32_0 = arith.constant 0 : i32
    return %arg0, %arg1, %c0_i32 : i32, i32, i32
  }
  func.func @transform_2(%arg0: i32, %arg1: i32) -> (i32, i32) {
    %c0_i32 = arith.constant 0 : i32
    %c0_i32_0 = arith.constant 0 : i32
    %c0_i32_1 = arith.constant 0 : i32
    return %c0_i32, %c0_i32_0 : i32, i32
  }
  func.func @transform_3(%arg0: i32, %arg1: i32) -> (i32, i32) {
    %c0_i32 = arith.constant 0 : i32
    %c0_i32_0 = arith.constant 0 : i32
    %c0_i32_1 = arith.constant 0 : i32
    return %c0_i32, %c0_i32_0 : i32, i32
  }
  func.func @transform_4(%arg0: i32, %arg1: i32) -> (i32, i32) {
    %c0_i32 = arith.constant 0 : i32
    %c0_i32_0 = arith.constant 0 : i32
    %c0_i32_1 = arith.constant 0 : i32
    return %c0_i32, %c0_i32_0 : i32, i32
  }
  func.func @transform_5(%arg0: i32, %arg1: i32) -> (i32, i32, i32) {
    %c0_i32 = arith.constant 0 : i32
    %c0_i32_0 = arith.constant 0 : i32
    return %arg0, %c0_i32, %arg1 : i32, i32, i32
  }
  func.func @transform_6(%arg0: i32, %arg1: i32) -> (i32, i32, i32) {
    %c0_i32 = arith.constant 0 : i32
    %c0_i32_0 = arith.constant 0 : i32
    return %arg0, %arg1, %c0_i32 : i32, i32, i32
  }
  func.func @transform_7(%arg0: i32, %arg1: i32) -> (i32, i32, i32) {
    %c0_i32 = arith.constant 0 : i32
    %c0_i32_0 = arith.constant 0 : i32
    return %arg0, %arg1, %c0_i32 : i32, i32, i32
  }
}

module attributes {stable_mosaic.version = 14 : i64} {
  func.func @_attn_kernel(%arg0: i32, %arg1: i32, %arg2: memref<1x16x128x256xf32, #tpu.memory_space<vmem>>, %arg3: memref<1x128x192xf32, #tpu.memory_space<vmem>>, %arg4: memref<1x128x128xf32, #tpu.memory_space<vmem>>, %arg5: memref<128x64xf32, #tpu.memory_space<vmem>>, %arg6: memref<128x1xf32, #tpu.memory_space<vmem>>, %arg7: memref<1x128x128xf32, #tpu.memory_space<vmem>>) attributes {dimension_semantics = [#tpu.dimension_semantics<arbitrary>, #tpu.dimension_semantics<arbitrary>], iteration_bounds = array<i64: 2, 16>, scalar_prefetch = 0 : i64, scratch_operands = 0 : i64, tpu.core_type = #tpu.core_type<tc>, window_params = [{transform_indices = @transform_0, window_bounds = array<i64: 1, 16, 128, 256>}, {transform_indices = @transform_1, window_bounds = array<i64: 1, 128, 192>}, {transform_indices = @transform_2, window_bounds = array<i64: 1, 128, 128>}, {pipeline_mode = #tpu.pipeline_mode<synchronous>, transform_indices = @transform_3, window_bounds = array<i64: 128, 64>}, {pipeline_mode = #tpu.pipeline_mode<synchronous>, transform_indices = @transform_4, window_bounds = array<i64: 128, 1>}, {transform_indices = @transform_5, window_bounds = array<i64: 1, 128, 128>}]} {
    %get3A = arith.constant 0 : index
    %get3A_0 = arith.constant 0 : index
    %get3A_1 = arith.constant 0 : index
    %get3A_2 = arith.constant 0 : index
    %get3A_3 = vector.load %arg2[%get3A, %get3A_0, %get3A_1, %get3A_2] : memref<1x16x128x256xf32, #tpu.memory_space<vmem>>, vector<1x16x128x256xf32>
    %get3A_4 = vector.shape_cast %get3A_3 : vector<1x16x128x256xf32> to vector<16x128x256xf32>
    %get3A_5 = arith.constant 0 : index
    %get3A_6 = arith.constant 0 : index
    %get3A_7 = arith.constant 0 : index
    %get3A_8 = vector.load %arg3[%get3A_5, %get3A_6, %get3A_7] : memref<1x128x192xf32, #tpu.memory_space<vmem>>, vector<1x128x192xf32>
    %get3A_9 = vector.shape_cast %get3A_8 : vector<1x128x192xf32> to vector<128x192xf32>
    %slice3A = vector.extract_strided_slice %get3A_9 {offsets = [0, 0], sizes = [128, 64], strides = [1, 1]} : vector<128x192xf32> to vector<128x64xf32>
    %slice3A_10 = vector.extract_strided_slice %get3A_9 {offsets = [0, 64], sizes = [128, 64], strides = [1, 1]} : vector<128x192xf32> to vector<128x64xf32>
    %slice3A_11 = vector.extract_strided_slice %get3A_9 {offsets = [0, 128], sizes = [128, 64], strides = [1, 1]} : vector<128x192xf32> to vector<128x64xf32>
    %slice3A_12 = vector.extract_strided_slice %get3A_4 {offsets = [0, 0, 0], sizes = [1, 128, 64], strides = [1, 1, 1]} : vector<16x128x256xf32> to vector<1x128x64xf32>
    %squeeze3A = vector.shape_cast %slice3A_12 : vector<1x128x64xf32> to vector<128x64xf32>
    %add3A = arith.addf %squeeze3A, %slice3A : vector<128x64xf32>
    %slice3A_13 = vector.extract_strided_slice %get3A_4 {offsets = [1, 0, 0], sizes = [1, 128, 64], strides = [1, 1, 1]} : vector<16x128x256xf32> to vector<1x128x64xf32>
    %squeeze3A_14 = vector.shape_cast %slice3A_13 : vector<1x128x64xf32> to vector<128x64xf32>
    %add3A_15 = arith.addf %squeeze3A_14, %slice3A : vector<128x64xf32>
    %slice3A_16 = vector.extract_strided_slice %get3A_4 {offsets = [2, 0, 0], sizes = [1, 128, 64], strides = [1, 1, 1]} : vector<16x128x256xf32> to vector<1x128x64xf32>
    %squeeze3A_17 = vector.shape_cast %slice3A_16 : vector<1x128x64xf32> to vector<128x64xf32>
    %add3A_18 = arith.addf %squeeze3A_17, %slice3A : vector<128x64xf32>
    %slice3A_19 = vector.extract_strided_slice %get3A_4 {offsets = [3, 0, 0], sizes = [1, 128, 64], strides = [1, 1, 1]} : vector<16x128x256xf32> to vector<1x128x64xf32>
    %squeeze3A_20 = vector.shape_cast %slice3A_19 : vector<1x128x64xf32> to vector<128x64xf32>
    %add3A_21 = arith.addf %squeeze3A_20, %slice3A : vector<128x64xf32>
    %slice3A_22 = vector.extract_strided_slice %get3A_4 {offsets = [4, 0, 0], sizes = [1, 128, 64], strides = [1, 1, 1]} : vector<16x128x256xf32> to vector<1x128x64xf32>
    %squeeze3A_23 = vector.shape_cast %slice3A_22 : vector<1x128x64xf32> to vector<128x64xf32>
    %add3A_24 = arith.addf %squeeze3A_23, %slice3A : vector<128x64xf32>
    %slice3A_25 = vector.extract_strided_slice %get3A_4 {offsets = [5, 0, 0], sizes = [1, 128, 64], strides = [1, 1, 1]} : vector<16x128x256xf32> to vector<1x128x64xf32>
    %squeeze3A_26 = vector.shape_cast %slice3A_25 : vector<1x128x64xf32> to vector<128x64xf32>
    %add3A_27 = arith.addf %squeeze3A_26, %slice3A : vector<128x64xf32>
    %slice3A_28 = vector.extract_strided_slice %get3A_4 {offsets = [6, 0, 0], sizes = [1, 128, 64], strides = [1, 1, 1]} : vector<16x128x256xf32> to vector<1x128x64xf32>
    %squeeze3A_29 = vector.shape_cast %slice3A_28 : vector<1x128x64xf32> to vector<128x64xf32>
    %add3A_30 = arith.addf %squeeze3A_29, %slice3A : vector<128x64xf32>
    %slice3A_31 = vector.extract_strided_slice %get3A_4 {offsets = [7, 0, 0], sizes = [1, 128, 64], strides = [1, 1, 1]} : vector<16x128x256xf32> to vector<1x128x64xf32>
    %squeeze3A_32 = vector.shape_cast %slice3A_31 : vector<1x128x64xf32> to vector<128x64xf32>
    %add3A_33 = arith.addf %squeeze3A_32, %slice3A : vector<128x64xf32>
    %slice3A_34 = vector.extract_strided_slice %get3A_4 {offsets = [0, 0, 64], sizes = [1, 128, 64], strides = [1, 1, 1]} : vector<16x128x256xf32> to vector<1x128x64xf32>
    %squeeze3A_35 = vector.shape_cast %slice3A_34 : vector<1x128x64xf32> to vector<128x64xf32>
    %add3A_36 = arith.addf %squeeze3A_35, %slice3A_10 : vector<128x64xf32>
    %slice3A_37 = vector.extract_strided_slice %get3A_4 {offsets = [1, 0, 64], sizes = [1, 128, 64], strides = [1, 1, 1]} : vector<16x128x256xf32> to vector<1x128x64xf32>
    %squeeze3A_38 = vector.shape_cast %slice3A_37 : vector<1x128x64xf32> to vector<128x64xf32>
    %add3A_39 = arith.addf %squeeze3A_38, %slice3A_10 : vector<128x64xf32>
    %slice3A_40 = vector.extract_strided_slice %get3A_4 {offsets = [2, 0, 64], sizes = [1, 128, 64], strides = [1, 1, 1]} : vector<16x128x256xf32> to vector<1x128x64xf32>
    %squeeze3A_41 = vector.shape_cast %slice3A_40 : vector<1x128x64xf32> to vector<128x64xf32>
    %add3A_42 = arith.addf %squeeze3A_41, %slice3A_10 : vector<128x64xf32>
    %slice3A_43 = vector.extract_strided_slice %get3A_4 {offsets = [3, 0, 64], sizes = [1, 128, 64], strides = [1, 1, 1]} : vector<16x128x256xf32> to vector<1x128x64xf32>
    %squeeze3A_44 = vector.shape_cast %slice3A_43 : vector<1x128x64xf32> to vector<128x64xf32>
    %add3A_45 = arith.addf %squeeze3A_44, %slice3A_10 : vector<128x64xf32>
    %slice3A_46 = vector.extract_strided_slice %get3A_4 {offsets = [4, 0, 64], sizes = [1, 128, 64], strides = [1, 1, 1]} : vector<16x128x256xf32> to vector<1x128x64xf32>
    %squeeze3A_47 = vector.shape_cast %slice3A_46 : vector<1x128x64xf32> to vector<128x64xf32>
    %add3A_48 = arith.addf %squeeze3A_47, %slice3A_10 : vector<128x64xf32>
    %slice3A_49 = vector.extract_strided_slice %get3A_4 {offsets = [5, 0, 64], sizes = [1, 128, 64], strides = [1, 1, 1]} : vector<16x128x256xf32> to vector<1x128x64xf32>
    %squeeze3A_50 = vector.shape_cast %slice3A_49 : vector<1x128x64xf32> to vector<128x64xf32>
    %add3A_51 = arith.addf %squeeze3A_50, %slice3A_10 : vector<128x64xf32>
    %slice3A_52 = vector.extract_strided_slice %get3A_4 {offsets = [6, 0, 64], sizes = [1, 128, 64], strides = [1, 1, 1]} : vector<16x128x256xf32> to vector<1x128x64xf32>
    %squeeze3A_53 = vector.shape_cast %slice3A_52 : vector<1x128x64xf32> to vector<128x64xf32>
    %add3A_54 = arith.addf %squeeze3A_53, %slice3A_10 : vector<128x64xf32>
    %slice3A_55 = vector.extract_strided_slice %get3A_4 {offsets = [7, 0, 64], sizes = [1, 128, 64], strides = [1, 1, 1]} : vector<16x128x256xf32> to vector<1x128x64xf32>
    %squeeze3A_56 = vector.shape_cast %slice3A_55 : vector<1x128x64xf32> to vector<128x64xf32>
    %add3A_57 = arith.addf %squeeze3A_56, %slice3A_10 : vector<128x64xf32>
    %slice3A_58 = vector.extract_strided_slice %get3A_4 {offsets = [8, 0, 64], sizes = [1, 128, 64], strides = [1, 1, 1]} : vector<16x128x256xf32> to vector<1x128x64xf32>
    %squeeze3A_59 = vector.shape_cast %slice3A_58 : vector<1x128x64xf32> to vector<128x64xf32>
    %add3A_60 = arith.addf %squeeze3A_59, %slice3A_10 : vector<128x64xf32>
    %slice3A_61 = vector.extract_strided_slice %get3A_4 {offsets = [9, 0, 64], sizes = [1, 128, 64], strides = [1, 1, 1]} : vector<16x128x256xf32> to vector<1x128x64xf32>
    %squeeze3A_62 = vector.shape_cast %slice3A_61 : vector<1x128x64xf32> to vector<128x64xf32>
    %add3A_63 = arith.addf %squeeze3A_62, %slice3A_10 : vector<128x64xf32>
    %slice3A_64 = vector.extract_strided_slice %get3A_4 {offsets = [10, 0, 64], sizes = [1, 128, 64], strides = [1, 1, 1]} : vector<16x128x256xf32> to vector<1x128x64xf32>
    %squeeze3A_65 = vector.shape_cast %slice3A_64 : vector<1x128x64xf32> to vector<128x64xf32>
    %add3A_66 = arith.addf %squeeze3A_65, %slice3A_10 : vector<128x64xf32>
    %slice3A_67 = vector.extract_strided_slice %get3A_4 {offsets = [11, 0, 64], sizes = [1, 128, 64], strides = [1, 1, 1]} : vector<16x128x256xf32> to vector<1x128x64xf32>
    %squeeze3A_68 = vector.shape_cast %slice3A_67 : vector<1x128x64xf32> to vector<128x64xf32>
    %add3A_69 = arith.addf %squeeze3A_68, %slice3A_10 : vector<128x64xf32>
    %slice3A_70 = vector.extract_strided_slice %get3A_4 {offsets = [12, 0, 64], sizes = [1, 128, 64], strides = [1, 1, 1]} : vector<16x128x256xf32> to vector<1x128x64xf32>
    %squeeze3A_71 = vector.shape_cast %slice3A_70 : vector<1x128x64xf32> to vector<128x64xf32>
    %add3A_72 = arith.addf %squeeze3A_71, %slice3A_10 : vector<128x64xf32>
    %slice3A_73 = vector.extract_strided_slice %get3A_4 {offsets = [13, 0, 64], sizes = [1, 128, 64], strides = [1, 1, 1]} : vector<16x128x256xf32> to vector<1x128x64xf32>
    %squeeze3A_74 = vector.shape_cast %slice3A_73 : vector<1x128x64xf32> to vector<128x64xf32>
    %add3A_75 = arith.addf %squeeze3A_74, %slice3A_10 : vector<128x64xf32>
    %slice3A_76 = vector.extract_strided_slice %get3A_4 {offsets = [14, 0, 64], sizes = [1, 128, 64], strides = [1, 1, 1]} : vector<16x128x256xf32> to vector<1x128x64xf32>
    %squeeze3A_77 = vector.shape_cast %slice3A_76 : vector<1x128x64xf32> to vector<128x64xf32>
    %add3A_78 = arith.addf %squeeze3A_77, %slice3A_10 : vector<128x64xf32>
    %slice3A_79 = vector.extract_strided_slice %get3A_4 {offsets = [15, 0, 64], sizes = [1, 128, 64], strides = [1, 1, 1]} : vector<16x128x256xf32> to vector<1x128x64xf32>
    %squeeze3A_80 = vector.shape_cast %slice3A_79 : vector<1x128x64xf32> to vector<128x64xf32>
    %add3A_81 = arith.addf %squeeze3A_80, %slice3A_10 : vector<128x64xf32>
    %slice3A_82 = vector.extract_strided_slice %get3A_4 {offsets = [0, 0, 128], sizes = [1, 128, 64], strides = [1, 1, 1]} : vector<16x128x256xf32> to vector<1x128x64xf32>
    %squeeze3A_83 = vector.shape_cast %slice3A_82 : vector<1x128x64xf32> to vector<128x64xf32>
    %add3A_84 = arith.addf %squeeze3A_83, %slice3A_11 : vector<128x64xf32>
    %slice3A_85 = vector.extract_strided_slice %get3A_4 {offsets = [1, 0, 128], sizes = [1, 128, 64], strides = [1, 1, 1]} : vector<16x128x256xf32> to vector<1x128x64xf32>
    %squeeze3A_86 = vector.shape_cast %slice3A_85 : vector<1x128x64xf32> to vector<128x64xf32>
    %add3A_87 = arith.addf %squeeze3A_86, %slice3A_11 : vector<128x64xf32>
    %slice3A_88 = vector.extract_strided_slice %get3A_4 {offsets = [2, 0, 128], sizes = [1, 128, 64], strides = [1, 1, 1]} : vector<16x128x256xf32> to vector<1x128x64xf32>
    %squeeze3A_89 = vector.shape_cast %slice3A_88 : vector<1x128x64xf32> to vector<128x64xf32>
    %add3A_90 = arith.addf %squeeze3A_89, %slice3A_11 : vector<128x64xf32>
    %slice3A_91 = vector.extract_strided_slice %get3A_4 {offsets = [3, 0, 128], sizes = [1, 128, 64], strides = [1, 1, 1]} : vector<16x128x256xf32> to vector<1x128x64xf32>
    %squeeze3A_92 = vector.shape_cast %slice3A_91 : vector<1x128x64xf32> to vector<128x64xf32>
    %add3A_93 = arith.addf %squeeze3A_92, %slice3A_11 : vector<128x64xf32>
    %slice3A_94 = vector.extract_strided_slice %get3A_4 {offsets = [4, 0, 128], sizes = [1, 128, 64], strides = [1, 1, 1]} : vector<16x128x256xf32> to vector<1x128x64xf32>
    %squeeze3A_95 = vector.shape_cast %slice3A_94 : vector<1x128x64xf32> to vector<128x64xf32>
    %add3A_96 = arith.addf %squeeze3A_95, %slice3A_11 : vector<128x64xf32>
    %slice3A_97 = vector.extract_strided_slice %get3A_4 {offsets = [5, 0, 128], sizes = [1, 128, 64], strides = [1, 1, 1]} : vector<16x128x256xf32> to vector<1x128x64xf32>
    %squeeze3A_98 = vector.shape_cast %slice3A_97 : vector<1x128x64xf32> to vector<128x64xf32>
    %add3A_99 = arith.addf %squeeze3A_98, %slice3A_11 : vector<128x64xf32>
    %slice3A_100 = vector.extract_strided_slice %get3A_4 {offsets = [6, 0, 128], sizes = [1, 128, 64], strides = [1, 1, 1]} : vector<16x128x256xf32> to vector<1x128x64xf32>
    %squeeze3A_101 = vector.shape_cast %slice3A_100 : vector<1x128x64xf32> to vector<128x64xf32>
    %add3A_102 = arith.addf %squeeze3A_101, %slice3A_11 : vector<128x64xf32>
    %slice3A_103 = vector.extract_strided_slice %get3A_4 {offsets = [7, 0, 128], sizes = [1, 128, 64], strides = [1, 1, 1]} : vector<16x128x256xf32> to vector<1x128x64xf32>
    %squeeze3A_104 = vector.shape_cast %slice3A_103 : vector<1x128x64xf32> to vector<128x64xf32>
    %add3A_105 = arith.addf %squeeze3A_104, %slice3A_11 : vector<128x64xf32>
    %slice3A_106 = vector.extract_strided_slice %get3A_4 {offsets = [8, 0, 128], sizes = [1, 128, 64], strides = [1, 1, 1]} : vector<16x128x256xf32> to vector<1x128x64xf32>
    %squeeze3A_107 = vector.shape_cast %slice3A_106 : vector<1x128x64xf32> to vector<128x64xf32>
    %add3A_108 = arith.addf %squeeze3A_107, %slice3A_11 : vector<128x64xf32>
    %slice3A_109 = vector.extract_strided_slice %get3A_4 {offsets = [9, 0, 128], sizes = [1, 128, 64], strides = [1, 1, 1]} : vector<16x128x256xf32> to vector<1x128x64xf32>
    %squeeze3A_110 = vector.shape_cast %slice3A_109 : vector<1x128x64xf32> to vector<128x64xf32>
    %add3A_111 = arith.addf %squeeze3A_110, %slice3A_11 : vector<128x64xf32>
    %slice3A_112 = vector.extract_strided_slice %get3A_4 {offsets = [10, 0, 128], sizes = [1, 128, 64], strides = [1, 1, 1]} : vector<16x128x256xf32> to vector<1x128x64xf32>
    %squeeze3A_113 = vector.shape_cast %slice3A_112 : vector<1x128x64xf32> to vector<128x64xf32>
    %add3A_114 = arith.addf %squeeze3A_113, %slice3A_11 : vector<128x64xf32>
    %slice3A_115 = vector.extract_strided_slice %get3A_4 {offsets = [11, 0, 128], sizes = [1, 128, 64], strides = [1, 1, 1]} : vector<16x128x256xf32> to vector<1x128x64xf32>
    %squeeze3A_116 = vector.shape_cast %slice3A_115 : vector<1x128x64xf32> to vector<128x64xf32>
    %add3A_117 = arith.addf %squeeze3A_116, %slice3A_11 : vector<128x64xf32>
    %slice3A_118 = vector.extract_strided_slice %get3A_4 {offsets = [12, 0, 128], sizes = [1, 128, 64], strides = [1, 1, 1]} : vector<16x128x256xf32> to vector<1x128x64xf32>
    %squeeze3A_119 = vector.shape_cast %slice3A_118 : vector<1x128x64xf32> to vector<128x64xf32>
    %add3A_120 = arith.addf %squeeze3A_119, %slice3A_11 : vector<128x64xf32>
    %slice3A_121 = vector.extract_strided_slice %get3A_4 {offsets = [13, 0, 128], sizes = [1, 128, 64], strides = [1, 1, 1]} : vector<16x128x256xf32> to vector<1x128x64xf32>
    %squeeze3A_122 = vector.shape_cast %slice3A_121 : vector<1x128x64xf32> to vector<128x64xf32>
    %add3A_123 = arith.addf %squeeze3A_122, %slice3A_11 : vector<128x64xf32>
    %slice3A_124 = vector.extract_strided_slice %get3A_4 {offsets = [14, 0, 128], sizes = [1, 128, 64], strides = [1, 1, 1]} : vector<16x128x256xf32> to vector<1x128x64xf32>
    %squeeze3A_125 = vector.shape_cast %slice3A_124 : vector<1x128x64xf32> to vector<128x64xf32>
    %add3A_126 = arith.addf %squeeze3A_125, %slice3A_11 : vector<128x64xf32>
    %slice3A_127 = vector.extract_strided_slice %get3A_4 {offsets = [15, 0, 128], sizes = [1, 128, 64], strides = [1, 1, 1]} : vector<16x128x256xf32> to vector<1x128x64xf32>
    %squeeze3A_128 = vector.shape_cast %slice3A_127 : vector<1x128x64xf32> to vector<128x64xf32>
    %add3A_129 = arith.addf %squeeze3A_128, %slice3A_11 : vector<128x64xf32>
    %iota3A = tpu.iota {dimensions = array<i32: 0>} : vector<1024x16xi32>
    %iota3A_130 = tpu.iota {dimensions = array<i32: 1>} : vector<1024x16xi32>
    %jit3A = arith.constant 64 : i32
    %div3A = vector.broadcast %jit3A : i32 to vector<1024x16xi32>
    %div3A_131 = arith.divsi %iota3A, %div3A : vector<1024x16xi32>
    %sign3A = arith.constant 0 : i32
    %sign3A_132 = vector.broadcast %sign3A : i32 to vector<1024x16xi32>
    %sign3A_133 = arith.cmpi sgt, %iota3A, %sign3A_132 : vector<1024x16xi32>
    %sign3A_134 = arith.extui %sign3A_133 : vector<1024x16xi1> to vector<1024x16xi32>
    %sign3A_135 = arith.constant 0 : i32
    %sign3A_136 = vector.broadcast %sign3A_135 : i32 to vector<1024x16xi32>
    %sign3A_137 = arith.cmpi slt, %iota3A, %sign3A_136 : vector<1024x16xi32>
    %sign3A_138 = arith.extui %sign3A_137 : vector<1024x16xi1> to vector<1024x16xi32>
    %sign3A_139 = arith.subi %sign3A_134, %sign3A_138 : vector<1024x16xi32>
    %sign3A_140 = arith.constant 0 : i32
    %sign3A_141 = arith.cmpi sgt, %jit3A, %sign3A_140 : i32
    %sign3A_142 = arith.extui %sign3A_141 : i1 to i32
    %sign3A_143 = arith.constant 0 : i32
    %sign3A_144 = arith.cmpi slt, %jit3A, %sign3A_143 : i32
    %sign3A_145 = arith.extui %sign3A_144 : i1 to i32
    %sign3A_146 = arith.subi %sign3A_142, %sign3A_145 : i32
    %ne3A = vector.broadcast %sign3A_146 : i32 to vector<1024x16xi32>
    %ne3A_147 = arith.cmpi ne, %sign3A_139, %ne3A : vector<1024x16xi32>
    %rem3A = vector.broadcast %jit3A : i32 to vector<1024x16xi32>
    %rem3A_148 = arith.remsi %iota3A, %rem3A : vector<1024x16xi32>
    %ne3A_149 = arith.constant 0 : i32
    %ne3A_150 = vector.broadcast %ne3A_149 : i32 to vector<1024x16xi32>
    %ne3A_151 = arith.cmpi ne, %rem3A_148, %ne3A_150 : vector<1024x16xi32>
    %and3A = arith.andi %ne3A_147, %ne3A_151 : vector<1024x16xi1>
    %sub3A = arith.constant 1 : i32
    %sub3A_152 = vector.broadcast %sub3A : i32 to vector<1024x16xi32>
    %sub3A_153 = arith.subi %div3A_131, %sub3A_152 : vector<1024x16xi32>
    %select_n3A = arith.select %and3A, %sub3A_153, %div3A_131 : vector<1024x16xi1>, vector<1024x16xi32>
    %eq3A = arith.cmpi eq, %select_n3A, %iota3A_130 : vector<1024x16xi32>
    %convert_element_type3A = arith.extui %eq3A : vector<1024x16xi1> to vector<1024x16xi32>
    %convert_element_type3A_154 = arith.sitofp %convert_element_type3A : vector<1024x16xi32> to vector<1024x16xf32>
    %broadcast_in_dim3A = arith.constant 0.000000e+00 : f32
    %broadcast_in_dim3A_155 = vector.broadcast %broadcast_in_dim3A : f32 to vector<128x16xf32>
    %mul3A = arith.mulf %add3A, %add3A_36 : vector<128x64xf32>
    %mul3A_156 = arith.mulf %add3A, %add3A_39 : vector<128x64xf32>
    %mul3A_157 = arith.mulf %add3A, %add3A_42 : vector<128x64xf32>
    %mul3A_158 = arith.mulf %add3A, %add3A_45 : vector<128x64xf32>
    %mul3A_159 = arith.mulf %add3A, %add3A_48 : vector<128x64xf32>
    %mul3A_160 = arith.mulf %add3A, %add3A_51 : vector<128x64xf32>
    %mul3A_161 = arith.mulf %add3A, %add3A_54 : vector<128x64xf32>
    %mul3A_162 = arith.mulf %add3A, %add3A_57 : vector<128x64xf32>
    %mul3A_163 = arith.mulf %add3A, %add3A_60 : vector<128x64xf32>
    %mul3A_164 = arith.mulf %add3A, %add3A_63 : vector<128x64xf32>
    %mul3A_165 = arith.mulf %add3A, %add3A_66 : vector<128x64xf32>
    %mul3A_166 = arith.mulf %add3A, %add3A_69 : vector<128x64xf32>
    %mul3A_167 = arith.mulf %add3A, %add3A_72 : vector<128x64xf32>
    %mul3A_168 = arith.mulf %add3A, %add3A_75 : vector<128x64xf32>
    %mul3A_169 = arith.mulf %add3A, %add3A_78 : vector<128x64xf32>
    %mul3A_170 = arith.mulf %add3A, %add3A_81 : vector<128x64xf32>
    %concatenate3A = tpu.concatenate %mul3A, %mul3A_156, %mul3A_157, %mul3A_158, %mul3A_159, %mul3A_160, %mul3A_161, %mul3A_162, %mul3A_163, %mul3A_164, %mul3A_165, %mul3A_166, %mul3A_167, %mul3A_168, %mul3A_169, %mul3A_170 in 1 : vector<128x64xf32>, vector<128x64xf32>, vector<128x64xf32>, vector<128x64xf32>, vector<128x64xf32>, vector<128x64xf32>, vector<128x64xf32>, vector<128x64xf32>, vector<128x64xf32>, vector<128x64xf32>, vector<128x64xf32>, vector<128x64xf32>, vector<128x64xf32>, vector<128x64xf32>, vector<128x64xf32>, vector<128x64xf32> -> vector<128x1024xf32>
    %dot_general3A = arith.constant dense<0.000000e+00> : vector<128x16xf32>
    %dot_general3A_171 = tpu.matmul %concatenate3A, %convert_element_type3A_154, %dot_general3A {dimension_numbers = #tpu.dot_dimension_numbers<[1], [0], [0], [1], [0, 0, 1, 1], [], []>, transpose_lhs_hint = false} : vector<128x1024xf32>, vector<1024x16xf32>, vector<128x16xf32> -> vector<128x16xf32>
    %reduce_max3A = arith.constant dense<0xFF800000> : vector<128xf32>
    %reduce_max3A_172 = vector.multi_reduction <maximumf>, %dot_general3A_171, %reduce_max3A [1] : vector<128x16xf32> to vector<128xf32>
    %broadcast_in_dim3A_173 = vector.shape_cast %reduce_max3A_172 : vector<128xf32> to vector<128x1xf32>
    %sub3A_174 = vector.broadcast %broadcast_in_dim3A_173 : vector<128x1xf32> to vector<128x16xf32>
    %sub3A_175 = arith.subf %dot_general3A_171, %sub3A_174 : vector<128x16xf32>
    %exp3A = math.exp %sub3A_175 : vector<128x16xf32>
    %reduce_sum3A = arith.constant dense<0.000000e+00> : vector<128xf32>
    %reduce_sum3A_176 = vector.multi_reduction <add>, %exp3A, %reduce_sum3A [1] : vector<128x16xf32> to vector<128xf32>
    %broadcast_in_dim3A_177 = vector.shape_cast %reduce_sum3A_176 : vector<128xf32> to vector<128x1xf32>
    %div3A_178 = vector.broadcast %broadcast_in_dim3A_177 : vector<128x1xf32> to vector<128x16xf32>
    %div3A_179 = arith.divf %exp3A, %div3A_178 : vector<128x16xf32>
    %add3A_180 = arith.addf %broadcast_in_dim3A_155, %div3A_179 : vector<128x16xf32>
    %mul3A_181 = arith.mulf %add3A_15, %add3A_36 : vector<128x64xf32>
    %mul3A_182 = arith.mulf %add3A_15, %add3A_39 : vector<128x64xf32>
    %mul3A_183 = arith.mulf %add3A_15, %add3A_42 : vector<128x64xf32>
    %mul3A_184 = arith.mulf %add3A_15, %add3A_45 : vector<128x64xf32>
    %mul3A_185 = arith.mulf %add3A_15, %add3A_48 : vector<128x64xf32>
    %mul3A_186 = arith.mulf %add3A_15, %add3A_51 : vector<128x64xf32>
    %mul3A_187 = arith.mulf %add3A_15, %add3A_54 : vector<128x64xf32>
    %mul3A_188 = arith.mulf %add3A_15, %add3A_57 : vector<128x64xf32>
    %mul3A_189 = arith.mulf %add3A_15, %add3A_60 : vector<128x64xf32>
    %mul3A_190 = arith.mulf %add3A_15, %add3A_63 : vector<128x64xf32>
    %mul3A_191 = arith.mulf %add3A_15, %add3A_66 : vector<128x64xf32>
    %mul3A_192 = arith.mulf %add3A_15, %add3A_69 : vector<128x64xf32>
    %mul3A_193 = arith.mulf %add3A_15, %add3A_72 : vector<128x64xf32>
    %mul3A_194 = arith.mulf %add3A_15, %add3A_75 : vector<128x64xf32>
    %mul3A_195 = arith.mulf %add3A_15, %add3A_78 : vector<128x64xf32>
    %mul3A_196 = arith.mulf %add3A_15, %add3A_81 : vector<128x64xf32>
    %concatenate3A_197 = tpu.concatenate %mul3A_181, %mul3A_182, %mul3A_183, %mul3A_184, %mul3A_185, %mul3A_186, %mul3A_187, %mul3A_188, %mul3A_189, %mul3A_190, %mul3A_191, %mul3A_192, %mul3A_193, %mul3A_194, %mul3A_195, %mul3A_196 in 1 : vector<128x64xf32>, vector<128x64xf32>, vector<128x64xf32>, vector<128x64xf32>, vector<128x64xf32>, vector<128x64xf32>, vector<128x64xf32>, vector<128x64xf32>, vector<128x64xf32>, vector<128x64xf32>, vector<128x64xf32>, vector<128x64xf32>, vector<128x64xf32>, vector<128x64xf32>, vector<128x64xf32>, vector<128x64xf32> -> vector<128x1024xf32>
    %dot_general3A_198 = arith.constant dense<0.000000e+00> : vector<128x16xf32>
    %dot_general3A_199 = tpu.matmul %concatenate3A_197, %convert_element_type3A_154, %dot_general3A_198 {dimension_numbers = #tpu.dot_dimension_numbers<[1], [0], [0], [1], [0, 0, 1, 1], [], []>, transpose_lhs_hint = false} : vector<128x1024xf32>, vector<1024x16xf32>, vector<128x16xf32> -> vector<128x16xf32>
    %reduce_max3A_200 = arith.constant dense<0xFF800000> : vector<128xf32>
    %reduce_max3A_201 = vector.multi_reduction <maximumf>, %dot_general3A_199, %reduce_max3A_200 [1] : vector<128x16xf32> to vector<128xf32>
    %broadcast_in_dim3A_202 = vector.shape_cast %reduce_max3A_201 : vector<128xf32> to vector<128x1xf32>
    %sub3A_203 = vector.broadcast %broadcast_in_dim3A_202 : vector<128x1xf32> to vector<128x16xf32>
    %sub3A_204 = arith.subf %dot_general3A_199, %sub3A_203 : vector<128x16xf32>
    %exp3A_205 = math.exp %sub3A_204 : vector<128x16xf32>
    %reduce_sum3A_206 = arith.constant dense<0.000000e+00> : vector<128xf32>
    %reduce_sum3A_207 = vector.multi_reduction <add>, %exp3A_205, %reduce_sum3A_206 [1] : vector<128x16xf32> to vector<128xf32>
    %broadcast_in_dim3A_208 = vector.shape_cast %reduce_sum3A_207 : vector<128xf32> to vector<128x1xf32>
    %div3A_209 = vector.broadcast %broadcast_in_dim3A_208 : vector<128x1xf32> to vector<128x16xf32>
    %div3A_210 = arith.divf %exp3A_205, %div3A_209 : vector<128x16xf32>
    %add3A_211 = arith.addf %add3A_180, %div3A_210 : vector<128x16xf32>
    %mul3A_212 = arith.mulf %add3A_18, %add3A_36 : vector<128x64xf32>
    %mul3A_213 = arith.mulf %add3A_18, %add3A_39 : vector<128x64xf32>
    %mul3A_214 = arith.mulf %add3A_18, %add3A_42 : vector<128x64xf32>
    %mul3A_215 = arith.mulf %add3A_18, %add3A_45 : vector<128x64xf32>
    %mul3A_216 = arith.mulf %add3A_18, %add3A_48 : vector<128x64xf32>
    %mul3A_217 = arith.mulf %add3A_18, %add3A_51 : vector<128x64xf32>
    %mul3A_218 = arith.mulf %add3A_18, %add3A_54 : vector<128x64xf32>
    %mul3A_219 = arith.mulf %add3A_18, %add3A_57 : vector<128x64xf32>
    %mul3A_220 = arith.mulf %add3A_18, %add3A_60 : vector<128x64xf32>
    %mul3A_221 = arith.mulf %add3A_18, %add3A_63 : vector<128x64xf32>
    %mul3A_222 = arith.mulf %add3A_18, %add3A_66 : vector<128x64xf32>
    %mul3A_223 = arith.mulf %add3A_18, %add3A_69 : vector<128x64xf32>
    %mul3A_224 = arith.mulf %add3A_18, %add3A_72 : vector<128x64xf32>
    %mul3A_225 = arith.mulf %add3A_18, %add3A_75 : vector<128x64xf32>
    %mul3A_226 = arith.mulf %add3A_18, %add3A_78 : vector<128x64xf32>
    %mul3A_227 = arith.mulf %add3A_18, %add3A_81 : vector<128x64xf32>
    %concatenate3A_228 = tpu.concatenate %mul3A_212, %mul3A_213, %mul3A_214, %mul3A_215, %mul3A_216, %mul3A_217, %mul3A_218, %mul3A_219, %mul3A_220, %mul3A_221, %mul3A_222, %mul3A_223, %mul3A_224, %mul3A_225, %mul3A_226, %mul3A_227 in 1 : vector<128x64xf32>, vector<128x64xf32>, vector<128x64xf32>, vector<128x64xf32>, vector<128x64xf32>, vector<128x64xf32>, vector<128x64xf32>, vector<128x64xf32>, vector<128x64xf32>, vector<128x64xf32>, vector<128x64xf32>, vector<128x64xf32>, vector<128x64xf32>, vector<128x64xf32>, vector<128x64xf32>, vector<128x64xf32> -> vector<128x1024xf32>
    %dot_general3A_229 = arith.constant dense<0.000000e+00> : vector<128x16xf32>
    %dot_general3A_230 = tpu.matmul %concatenate3A_228, %convert_element_type3A_154, %dot_general3A_229 {dimension_numbers = #tpu.dot_dimension_numbers<[1], [0], [0], [1], [0, 0, 1, 1], [], []>, transpose_lhs_hint = false} : vector<128x1024xf32>, vector<1024x16xf32>, vector<128x16xf32> -> vector<128x16xf32>
    %reduce_max3A_231 = arith.constant dense<0xFF800000> : vector<128xf32>
    %reduce_max3A_232 = vector.multi_reduction <maximumf>, %dot_general3A_230, %reduce_max3A_231 [1] : vector<128x16xf32> to vector<128xf32>
    %broadcast_in_dim3A_233 = vector.shape_cast %reduce_max3A_232 : vector<128xf32> to vector<128x1xf32>
    %sub3A_234 = vector.broadcast %broadcast_in_dim3A_233 : vector<128x1xf32> to vector<128x16xf32>
    %sub3A_235 = arith.subf %dot_general3A_230, %sub3A_234 : vector<128x16xf32>
    %exp3A_236 = math.exp %sub3A_235 : vector<128x16xf32>
    %reduce_sum3A_237 = arith.constant dense<0.000000e+00> : vector<128xf32>
    %reduce_sum3A_238 = vector.multi_reduction <add>, %exp3A_236, %reduce_sum3A_237 [1] : vector<128x16xf32> to vector<128xf32>
    %broadcast_in_dim3A_239 = vector.shape_cast %reduce_sum3A_238 : vector<128xf32> to vector<128x1xf32>
    %div3A_240 = vector.broadcast %broadcast_in_dim3A_239 : vector<128x1xf32> to vector<128x16xf32>
    %div3A_241 = arith.divf %exp3A_236, %div3A_240 : vector<128x16xf32>
    %add3A_242 = arith.addf %add3A_211, %div3A_241 : vector<128x16xf32>
    %mul3A_243 = arith.mulf %add3A_21, %add3A_36 : vector<128x64xf32>
    %mul3A_244 = arith.mulf %add3A_21, %add3A_39 : vector<128x64xf32>
    %mul3A_245 = arith.mulf %add3A_21, %add3A_42 : vector<128x64xf32>
    %mul3A_246 = arith.mulf %add3A_21, %add3A_45 : vector<128x64xf32>
    %mul3A_247 = arith.mulf %add3A_21, %add3A_48 : vector<128x64xf32>
    %mul3A_248 = arith.mulf %add3A_21, %add3A_51 : vector<128x64xf32>
    %mul3A_249 = arith.mulf %add3A_21, %add3A_54 : vector<128x64xf32>
    %mul3A_250 = arith.mulf %add3A_21, %add3A_57 : vector<128x64xf32>
    %mul3A_251 = arith.mulf %add3A_21, %add3A_60 : vector<128x64xf32>
    %mul3A_252 = arith.mulf %add3A_21, %add3A_63 : vector<128x64xf32>
    %mul3A_253 = arith.mulf %add3A_21, %add3A_66 : vector<128x64xf32>
    %mul3A_254 = arith.mulf %add3A_21, %add3A_69 : vector<128x64xf32>
    %mul3A_255 = arith.mulf %add3A_21, %add3A_72 : vector<128x64xf32>
    %mul3A_256 = arith.mulf %add3A_21, %add3A_75 : vector<128x64xf32>
    %mul3A_257 = arith.mulf %add3A_21, %add3A_78 : vector<128x64xf32>
    %mul3A_258 = arith.mulf %add3A_21, %add3A_81 : vector<128x64xf32>
    %concatenate3A_259 = tpu.concatenate %mul3A_243, %mul3A_244, %mul3A_245, %mul3A_246, %mul3A_247, %mul3A_248, %mul3A_249, %mul3A_250, %mul3A_251, %mul3A_252, %mul3A_253, %mul3A_254, %mul3A_255, %mul3A_256, %mul3A_257, %mul3A_258 in 1 : vector<128x64xf32>, vector<128x64xf32>, vector<128x64xf32>, vector<128x64xf32>, vector<128x64xf32>, vector<128x64xf32>, vector<128x64xf32>, vector<128x64xf32>, vector<128x64xf32>, vector<128x64xf32>, vector<128x64xf32>, vector<128x64xf32>, vector<128x64xf32>, vector<128x64xf32>, vector<128x64xf32>, vector<128x64xf32> -> vector<128x1024xf32>
    %dot_general3A_260 = arith.constant dense<0.000000e+00> : vector<128x16xf32>
    %dot_general3A_261 = tpu.matmul %concatenate3A_259, %convert_element_type3A_154, %dot_general3A_260 {dimension_numbers = #tpu.dot_dimension_numbers<[1], [0], [0], [1], [0, 0, 1, 1], [], []>, transpose_lhs_hint = false} : vector<128x1024xf32>, vector<1024x16xf32>, vector<128x16xf32> -> vector<128x16xf32>
    %reduce_max3A_262 = arith.constant dense<0xFF800000> : vector<128xf32>
    %reduce_max3A_263 = vector.multi_reduction <maximumf>, %dot_general3A_261, %reduce_max3A_262 [1] : vector<128x16xf32> to vector<128xf32>
    %broadcast_in_dim3A_264 = vector.shape_cast %reduce_max3A_263 : vector<128xf32> to vector<128x1xf32>
    %sub3A_265 = vector.broadcast %broadcast_in_dim3A_264 : vector<128x1xf32> to vector<128x16xf32>
    %sub3A_266 = arith.subf %dot_general3A_261, %sub3A_265 : vector<128x16xf32>
    %exp3A_267 = math.exp %sub3A_266 : vector<128x16xf32>
    %reduce_sum3A_268 = arith.constant dense<0.000000e+00> : vector<128xf32>
    %reduce_sum3A_269 = vector.multi_reduction <add>, %exp3A_267, %reduce_sum3A_268 [1] : vector<128x16xf32> to vector<128xf32>
    %broadcast_in_dim3A_270 = vector.shape_cast %reduce_sum3A_269 : vector<128xf32> to vector<128x1xf32>
    %div3A_271 = vector.broadcast %broadcast_in_dim3A_270 : vector<128x1xf32> to vector<128x16xf32>
    %div3A_272 = arith.divf %exp3A_267, %div3A_271 : vector<128x16xf32>
    %add3A_273 = arith.addf %add3A_242, %div3A_272 : vector<128x16xf32>
    %mul3A_274 = arith.mulf %add3A_24, %add3A_36 : vector<128x64xf32>
    %mul3A_275 = arith.mulf %add3A_24, %add3A_39 : vector<128x64xf32>
    %mul3A_276 = arith.mulf %add3A_24, %add3A_42 : vector<128x64xf32>
    %mul3A_277 = arith.mulf %add3A_24, %add3A_45 : vector<128x64xf32>
    %mul3A_278 = arith.mulf %add3A_24, %add3A_48 : vector<128x64xf32>
    %mul3A_279 = arith.mulf %add3A_24, %add3A_51 : vector<128x64xf32>
    %mul3A_280 = arith.mulf %add3A_24, %add3A_54 : vector<128x64xf32>
    %mul3A_281 = arith.mulf %add3A_24, %add3A_57 : vector<128x64xf32>
    %mul3A_282 = arith.mulf %add3A_24, %add3A_60 : vector<128x64xf32>
    %mul3A_283 = arith.mulf %add3A_24, %add3A_63 : vector<128x64xf32>
    %mul3A_284 = arith.mulf %add3A_24, %add3A_66 : vector<128x64xf32>
    %mul3A_285 = arith.mulf %add3A_24, %add3A_69 : vector<128x64xf32>
    %mul3A_286 = arith.mulf %add3A_24, %add3A_72 : vector<128x64xf32>
    %mul3A_287 = arith.mulf %add3A_24, %add3A_75 : vector<128x64xf32>
    %mul3A_288 = arith.mulf %add3A_24, %add3A_78 : vector<128x64xf32>
    %mul3A_289 = arith.mulf %add3A_24, %add3A_81 : vector<128x64xf32>
    %concatenate3A_290 = tpu.concatenate %mul3A_274, %mul3A_275, %mul3A_276, %mul3A_277, %mul3A_278, %mul3A_279, %mul3A_280, %mul3A_281, %mul3A_282, %mul3A_283, %mul3A_284, %mul3A_285, %mul3A_286, %mul3A_287, %mul3A_288, %mul3A_289 in 1 : vector<128x64xf32>, vector<128x64xf32>, vector<128x64xf32>, vector<128x64xf32>, vector<128x64xf32>, vector<128x64xf32>, vector<128x64xf32>, vector<128x64xf32>, vector<128x64xf32>, vector<128x64xf32>, vector<128x64xf32>, vector<128x64xf32>, vector<128x64xf32>, vector<128x64xf32>, vector<128x64xf32>, vector<128x64xf32> -> vector<128x1024xf32>
    %dot_general3A_291 = arith.constant dense<0.000000e+00> : vector<128x16xf32>
    %dot_general3A_292 = tpu.matmul %concatenate3A_290, %convert_element_type3A_154, %dot_general3A_291 {dimension_numbers = #tpu.dot_dimension_numbers<[1], [0], [0], [1], [0, 0, 1, 1], [], []>, transpose_lhs_hint = false} : vector<128x1024xf32>, vector<1024x16xf32>, vector<128x16xf32> -> vector<128x16xf32>
    %reduce_max3A_293 = arith.constant dense<0xFF800000> : vector<128xf32>
    %reduce_max3A_294 = vector.multi_reduction <maximumf>, %dot_general3A_292, %reduce_max3A_293 [1] : vector<128x16xf32> to vector<128xf32>
    %broadcast_in_dim3A_295 = vector.shape_cast %reduce_max3A_294 : vector<128xf32> to vector<128x1xf32>
    %sub3A_296 = vector.broadcast %broadcast_in_dim3A_295 : vector<128x1xf32> to vector<128x16xf32>
    %sub3A_297 = arith.subf %dot_general3A_292, %sub3A_296 : vector<128x16xf32>
    %exp3A_298 = math.exp %sub3A_297 : vector<128x16xf32>
    %reduce_sum3A_299 = arith.constant dense<0.000000e+00> : vector<128xf32>
    %reduce_sum3A_300 = vector.multi_reduction <add>, %exp3A_298, %reduce_sum3A_299 [1] : vector<128x16xf32> to vector<128xf32>
    %broadcast_in_dim3A_301 = vector.shape_cast %reduce_sum3A_300 : vector<128xf32> to vector<128x1xf32>
    %div3A_302 = vector.broadcast %broadcast_in_dim3A_301 : vector<128x1xf32> to vector<128x16xf32>
    %div3A_303 = arith.divf %exp3A_298, %div3A_302 : vector<128x16xf32>
    %add3A_304 = arith.addf %add3A_273, %div3A_303 : vector<128x16xf32>
    %mul3A_305 = arith.mulf %add3A_27, %add3A_36 : vector<128x64xf32>
    %mul3A_306 = arith.mulf %add3A_27, %add3A_39 : vector<128x64xf32>
    %mul3A_307 = arith.mulf %add3A_27, %add3A_42 : vector<128x64xf32>
    %mul3A_308 = arith.mulf %add3A_27, %add3A_45 : vector<128x64xf32>
    %mul3A_309 = arith.mulf %add3A_27, %add3A_48 : vector<128x64xf32>
    %mul3A_310 = arith.mulf %add3A_27, %add3A_51 : vector<128x64xf32>
    %mul3A_311 = arith.mulf %add3A_27, %add3A_54 : vector<128x64xf32>
    %mul3A_312 = arith.mulf %add3A_27, %add3A_57 : vector<128x64xf32>
    %mul3A_313 = arith.mulf %add3A_27, %add3A_60 : vector<128x64xf32>
    %mul3A_314 = arith.mulf %add3A_27, %add3A_63 : vector<128x64xf32>
    %mul3A_315 = arith.mulf %add3A_27, %add3A_66 : vector<128x64xf32>
    %mul3A_316 = arith.mulf %add3A_27, %add3A_69 : vector<128x64xf32>
    %mul3A_317 = arith.mulf %add3A_27, %add3A_72 : vector<128x64xf32>
    %mul3A_318 = arith.mulf %add3A_27, %add3A_75 : vector<128x64xf32>
    %mul3A_319 = arith.mulf %add3A_27, %add3A_78 : vector<128x64xf32>
    %mul3A_320 = arith.mulf %add3A_27, %add3A_81 : vector<128x64xf32>
    %concatenate3A_321 = tpu.concatenate %mul3A_305, %mul3A_306, %mul3A_307, %mul3A_308, %mul3A_309, %mul3A_310, %mul3A_311, %mul3A_312, %mul3A_313, %mul3A_314, %mul3A_315, %mul3A_316, %mul3A_317, %mul3A_318, %mul3A_319, %mul3A_320 in 1 : vector<128x64xf32>, vector<128x64xf32>, vector<128x64xf32>, vector<128x64xf32>, vector<128x64xf32>, vector<128x64xf32>, vector<128x64xf32>, vector<128x64xf32>, vector<128x64xf32>, vector<128x64xf32>, vector<128x64xf32>, vector<128x64xf32>, vector<128x64xf32>, vector<128x64xf32>, vector<128x64xf32>, vector<128x64xf32> -> vector<128x1024xf32>
    %dot_general3A_322 = arith.constant dense<0.000000e+00> : vector<128x16xf32>
    %dot_general3A_323 = tpu.matmul %concatenate3A_321, %convert_element_type3A_154, %dot_general3A_322 {dimension_numbers = #tpu.dot_dimension_numbers<[1], [0], [0], [1], [0, 0, 1, 1], [], []>, transpose_lhs_hint = false} : vector<128x1024xf32>, vector<1024x16xf32>, vector<128x16xf32> -> vector<128x16xf32>
    %reduce_max3A_324 = arith.constant dense<0xFF800000> : vector<128xf32>
    %reduce_max3A_325 = vector.multi_reduction <maximumf>, %dot_general3A_323, %reduce_max3A_324 [1] : vector<128x16xf32> to vector<128xf32>
    %broadcast_in_dim3A_326 = vector.shape_cast %reduce_max3A_325 : vector<128xf32> to vector<128x1xf32>
    %sub3A_327 = vector.broadcast %broadcast_in_dim3A_326 : vector<128x1xf32> to vector<128x16xf32>
    %sub3A_328 = arith.subf %dot_general3A_323, %sub3A_327 : vector<128x16xf32>
    %exp3A_329 = math.exp %sub3A_328 : vector<128x16xf32>
    %reduce_sum3A_330 = arith.constant dense<0.000000e+00> : vector<128xf32>
    %reduce_sum3A_331 = vector.multi_reduction <add>, %exp3A_329, %reduce_sum3A_330 [1] : vector<128x16xf32> to vector<128xf32>
    %broadcast_in_dim3A_332 = vector.shape_cast %reduce_sum3A_331 : vector<128xf32> to vector<128x1xf32>
    %div3A_333 = vector.broadcast %broadcast_in_dim3A_332 : vector<128x1xf32> to vector<128x16xf32>
    %div3A_334 = arith.divf %exp3A_329, %div3A_333 : vector<128x16xf32>
    %add3A_335 = arith.addf %add3A_304, %div3A_334 : vector<128x16xf32>
    %mul3A_336 = arith.mulf %add3A_30, %add3A_36 : vector<128x64xf32>
    %mul3A_337 = arith.mulf %add3A_30, %add3A_39 : vector<128x64xf32>
    %mul3A_338 = arith.mulf %add3A_30, %add3A_42 : vector<128x64xf32>
    %mul3A_339 = arith.mulf %add3A_30, %add3A_45 : vector<128x64xf32>
    %mul3A_340 = arith.mulf %add3A_30, %add3A_48 : vector<128x64xf32>
    %mul3A_341 = arith.mulf %add3A_30, %add3A_51 : vector<128x64xf32>
    %mul3A_342 = arith.mulf %add3A_30, %add3A_54 : vector<128x64xf32>
    %mul3A_343 = arith.mulf %add3A_30, %add3A_57 : vector<128x64xf32>
    %mul3A_344 = arith.mulf %add3A_30, %add3A_60 : vector<128x64xf32>
    %mul3A_345 = arith.mulf %add3A_30, %add3A_63 : vector<128x64xf32>
    %mul3A_346 = arith.mulf %add3A_30, %add3A_66 : vector<128x64xf32>
    %mul3A_347 = arith.mulf %add3A_30, %add3A_69 : vector<128x64xf32>
    %mul3A_348 = arith.mulf %add3A_30, %add3A_72 : vector<128x64xf32>
    %mul3A_349 = arith.mulf %add3A_30, %add3A_75 : vector<128x64xf32>
    %mul3A_350 = arith.mulf %add3A_30, %add3A_78 : vector<128x64xf32>
    %mul3A_351 = arith.mulf %add3A_30, %add3A_81 : vector<128x64xf32>
    %concatenate3A_352 = tpu.concatenate %mul3A_336, %mul3A_337, %mul3A_338, %mul3A_339, %mul3A_340, %mul3A_341, %mul3A_342, %mul3A_343, %mul3A_344, %mul3A_345, %mul3A_346, %mul3A_347, %mul3A_348, %mul3A_349, %mul3A_350, %mul3A_351 in 1 : vector<128x64xf32>, vector<128x64xf32>, vector<128x64xf32>, vector<128x64xf32>, vector<128x64xf32>, vector<128x64xf32>, vector<128x64xf32>, vector<128x64xf32>, vector<128x64xf32>, vector<128x64xf32>, vector<128x64xf32>, vector<128x64xf32>, vector<128x64xf32>, vector<128x64xf32>, vector<128x64xf32>, vector<128x64xf32> -> vector<128x1024xf32>
    %dot_general3A_353 = arith.constant dense<0.000000e+00> : vector<128x16xf32>
    %dot_general3A_354 = tpu.matmul %concatenate3A_352, %convert_element_type3A_154, %dot_general3A_353 {dimension_numbers = #tpu.dot_dimension_numbers<[1], [0], [0], [1], [0, 0, 1, 1], [], []>, transpose_lhs_hint = false} : vector<128x1024xf32>, vector<1024x16xf32>, vector<128x16xf32> -> vector<128x16xf32>
    %reduce_max3A_355 = arith.constant dense<0xFF800000> : vector<128xf32>
    %reduce_max3A_356 = vector.multi_reduction <maximumf>, %dot_general3A_354, %reduce_max3A_355 [1] : vector<128x16xf32> to vector<128xf32>
    %broadcast_in_dim3A_357 = vector.shape_cast %reduce_max3A_356 : vector<128xf32> to vector<128x1xf32>
    %sub3A_358 = vector.broadcast %broadcast_in_dim3A_357 : vector<128x1xf32> to vector<128x16xf32>
    %sub3A_359 = arith.subf %dot_general3A_354, %sub3A_358 : vector<128x16xf32>
    %exp3A_360 = math.exp %sub3A_359 : vector<128x16xf32>
    %reduce_sum3A_361 = arith.constant dense<0.000000e+00> : vector<128xf32>
    %reduce_sum3A_362 = vector.multi_reduction <add>, %exp3A_360, %reduce_sum3A_361 [1] : vector<128x16xf32> to vector<128xf32>
    %broadcast_in_dim3A_363 = vector.shape_cast %reduce_sum3A_362 : vector<128xf32> to vector<128x1xf32>
    %div3A_364 = vector.broadcast %broadcast_in_dim3A_363 : vector<128x1xf32> to vector<128x16xf32>
    %div3A_365 = arith.divf %exp3A_360, %div3A_364 : vector<128x16xf32>
    %add3A_366 = arith.addf %add3A_335, %div3A_365 : vector<128x16xf32>
    %mul3A_367 = arith.mulf %add3A_33, %add3A_36 : vector<128x64xf32>
    %mul3A_368 = arith.mulf %add3A_33, %add3A_39 : vector<128x64xf32>
    %mul3A_369 = arith.mulf %add3A_33, %add3A_42 : vector<128x64xf32>
    %mul3A_370 = arith.mulf %add3A_33, %add3A_45 : vector<128x64xf32>
    %mul3A_371 = arith.mulf %add3A_33, %add3A_48 : vector<128x64xf32>
    %mul3A_372 = arith.mulf %add3A_33, %add3A_51 : vector<128x64xf32>
    %mul3A_373 = arith.mulf %add3A_33, %add3A_54 : vector<128x64xf32>
    %mul3A_374 = arith.mulf %add3A_33, %add3A_57 : vector<128x64xf32>
    %mul3A_375 = arith.mulf %add3A_33, %add3A_60 : vector<128x64xf32>
    %mul3A_376 = arith.mulf %add3A_33, %add3A_63 : vector<128x64xf32>
    %mul3A_377 = arith.mulf %add3A_33, %add3A_66 : vector<128x64xf32>
    %mul3A_378 = arith.mulf %add3A_33, %add3A_69 : vector<128x64xf32>
    %mul3A_379 = arith.mulf %add3A_33, %add3A_72 : vector<128x64xf32>
    %mul3A_380 = arith.mulf %add3A_33, %add3A_75 : vector<128x64xf32>
    %mul3A_381 = arith.mulf %add3A_33, %add3A_78 : vector<128x64xf32>
    %mul3A_382 = arith.mulf %add3A_33, %add3A_81 : vector<128x64xf32>
    %concatenate3A_383 = tpu.concatenate %mul3A_367, %mul3A_368, %mul3A_369, %mul3A_370, %mul3A_371, %mul3A_372, %mul3A_373, %mul3A_374, %mul3A_375, %mul3A_376, %mul3A_377, %mul3A_378, %mul3A_379, %mul3A_380, %mul3A_381, %mul3A_382 in 1 : vector<128x64xf32>, vector<128x64xf32>, vector<128x64xf32>, vector<128x64xf32>, vector<128x64xf32>, vector<128x64xf32>, vector<128x64xf32>, vector<128x64xf32>, vector<128x64xf32>, vector<128x64xf32>, vector<128x64xf32>, vector<128x64xf32>, vector<128x64xf32>, vector<128x64xf32>, vector<128x64xf32>, vector<128x64xf32> -> vector<128x1024xf32>
    %dot_general3A_384 = arith.constant dense<0.000000e+00> : vector<128x16xf32>
    %dot_general3A_385 = tpu.matmul %concatenate3A_383, %convert_element_type3A_154, %dot_general3A_384 {dimension_numbers = #tpu.dot_dimension_numbers<[1], [0], [0], [1], [0, 0, 1, 1], [], []>, transpose_lhs_hint = false} : vector<128x1024xf32>, vector<1024x16xf32>, vector<128x16xf32> -> vector<128x16xf32>
    %reduce_max3A_386 = arith.constant dense<0xFF800000> : vector<128xf32>
    %reduce_max3A_387 = vector.multi_reduction <maximumf>, %dot_general3A_385, %reduce_max3A_386 [1] : vector<128x16xf32> to vector<128xf32>
    %broadcast_in_dim3A_388 = vector.shape_cast %reduce_max3A_387 : vector<128xf32> to vector<128x1xf32>
    %sub3A_389 = vector.broadcast %broadcast_in_dim3A_388 : vector<128x1xf32> to vector<128x16xf32>
    %sub3A_390 = arith.subf %dot_general3A_385, %sub3A_389 : vector<128x16xf32>
    %exp3A_391 = math.exp %sub3A_390 : vector<128x16xf32>
    %reduce_sum3A_392 = arith.constant dense<0.000000e+00> : vector<128xf32>
    %reduce_sum3A_393 = vector.multi_reduction <add>, %exp3A_391, %reduce_sum3A_392 [1] : vector<128x16xf32> to vector<128xf32>
    %broadcast_in_dim3A_394 = vector.shape_cast %reduce_sum3A_393 : vector<128xf32> to vector<128x1xf32>
    %div3A_395 = vector.broadcast %broadcast_in_dim3A_394 : vector<128x1xf32> to vector<128x16xf32>
    %div3A_396 = arith.divf %exp3A_391, %div3A_395 : vector<128x16xf32>
    %add3A_397 = arith.addf %add3A_366, %div3A_396 : vector<128x16xf32>
    %broadcast_in_dim3A_398 = arith.constant 0.000000e+00 : f32
    %broadcast_in_dim3A_399 = vector.broadcast %broadcast_in_dim3A_398 : f32 to vector<128x64xf32>
    %slice3A_400 = vector.extract_strided_slice %add3A_397 {offsets = [0, 0], sizes = [128, 1], strides = [1, 1]} : vector<128x16xf32> to vector<128x1xf32>
    %squeeze3A_401 = vector.shape_cast %slice3A_400 : vector<128x1xf32> to vector<128xf32>
    %broadcast_in_dim3A_402 = vector.shape_cast %squeeze3A_401 : vector<128xf32> to vector<128x1xf32>
    %mul3A_403 = vector.broadcast %broadcast_in_dim3A_402 : vector<128x1xf32> to vector<128x64xf32>
    %mul3A_404 = arith.mulf %add3A_84, %mul3A_403 : vector<128x64xf32>
    %add3A_405 = arith.addf %broadcast_in_dim3A_399, %mul3A_404 : vector<128x64xf32>
    %slice3A_406 = vector.extract_strided_slice %add3A_397 {offsets = [0, 1], sizes = [128, 1], strides = [1, 1]} : vector<128x16xf32> to vector<128x1xf32>
    %squeeze3A_407 = vector.shape_cast %slice3A_406 : vector<128x1xf32> to vector<128xf32>
    %broadcast_in_dim3A_408 = vector.shape_cast %squeeze3A_407 : vector<128xf32> to vector<128x1xf32>
    %mul3A_409 = vector.broadcast %broadcast_in_dim3A_408 : vector<128x1xf32> to vector<128x64xf32>
    %mul3A_410 = arith.mulf %add3A_87, %mul3A_409 : vector<128x64xf32>
    %add3A_411 = arith.addf %add3A_405, %mul3A_410 : vector<128x64xf32>
    %slice3A_412 = vector.extract_strided_slice %add3A_397 {offsets = [0, 2], sizes = [128, 1], strides = [1, 1]} : vector<128x16xf32> to vector<128x1xf32>
    %squeeze3A_413 = vector.shape_cast %slice3A_412 : vector<128x1xf32> to vector<128xf32>
    %broadcast_in_dim3A_414 = vector.shape_cast %squeeze3A_413 : vector<128xf32> to vector<128x1xf32>
    %mul3A_415 = vector.broadcast %broadcast_in_dim3A_414 : vector<128x1xf32> to vector<128x64xf32>
    %mul3A_416 = arith.mulf %add3A_90, %mul3A_415 : vector<128x64xf32>
    %add3A_417 = arith.addf %add3A_411, %mul3A_416 : vector<128x64xf32>
    %slice3A_418 = vector.extract_strided_slice %add3A_397 {offsets = [0, 3], sizes = [128, 1], strides = [1, 1]} : vector<128x16xf32> to vector<128x1xf32>
    %squeeze3A_419 = vector.shape_cast %slice3A_418 : vector<128x1xf32> to vector<128xf32>
    %broadcast_in_dim3A_420 = vector.shape_cast %squeeze3A_419 : vector<128xf32> to vector<128x1xf32>
    %mul3A_421 = vector.broadcast %broadcast_in_dim3A_420 : vector<128x1xf32> to vector<128x64xf32>
    %mul3A_422 = arith.mulf %add3A_93, %mul3A_421 : vector<128x64xf32>
    %add3A_423 = arith.addf %add3A_417, %mul3A_422 : vector<128x64xf32>
    %slice3A_424 = vector.extract_strided_slice %add3A_397 {offsets = [0, 4], sizes = [128, 1], strides = [1, 1]} : vector<128x16xf32> to vector<128x1xf32>
    %squeeze3A_425 = vector.shape_cast %slice3A_424 : vector<128x1xf32> to vector<128xf32>
    %broadcast_in_dim3A_426 = vector.shape_cast %squeeze3A_425 : vector<128xf32> to vector<128x1xf32>
    %mul3A_427 = vector.broadcast %broadcast_in_dim3A_426 : vector<128x1xf32> to vector<128x64xf32>
    %mul3A_428 = arith.mulf %add3A_96, %mul3A_427 : vector<128x64xf32>
    %add3A_429 = arith.addf %add3A_423, %mul3A_428 : vector<128x64xf32>
    %slice3A_430 = vector.extract_strided_slice %add3A_397 {offsets = [0, 5], sizes = [128, 1], strides = [1, 1]} : vector<128x16xf32> to vector<128x1xf32>
    %squeeze3A_431 = vector.shape_cast %slice3A_430 : vector<128x1xf32> to vector<128xf32>
    %broadcast_in_dim3A_432 = vector.shape_cast %squeeze3A_431 : vector<128xf32> to vector<128x1xf32>
    %mul3A_433 = vector.broadcast %broadcast_in_dim3A_432 : vector<128x1xf32> to vector<128x64xf32>
    %mul3A_434 = arith.mulf %add3A_99, %mul3A_433 : vector<128x64xf32>
    %add3A_435 = arith.addf %add3A_429, %mul3A_434 : vector<128x64xf32>
    %slice3A_436 = vector.extract_strided_slice %add3A_397 {offsets = [0, 6], sizes = [128, 1], strides = [1, 1]} : vector<128x16xf32> to vector<128x1xf32>
    %squeeze3A_437 = vector.shape_cast %slice3A_436 : vector<128x1xf32> to vector<128xf32>
    %broadcast_in_dim3A_438 = vector.shape_cast %squeeze3A_437 : vector<128xf32> to vector<128x1xf32>
    %mul3A_439 = vector.broadcast %broadcast_in_dim3A_438 : vector<128x1xf32> to vector<128x64xf32>
    %mul3A_440 = arith.mulf %add3A_102, %mul3A_439 : vector<128x64xf32>
    %add3A_441 = arith.addf %add3A_435, %mul3A_440 : vector<128x64xf32>
    %slice3A_442 = vector.extract_strided_slice %add3A_397 {offsets = [0, 7], sizes = [128, 1], strides = [1, 1]} : vector<128x16xf32> to vector<128x1xf32>
    %squeeze3A_443 = vector.shape_cast %slice3A_442 : vector<128x1xf32> to vector<128xf32>
    %broadcast_in_dim3A_444 = vector.shape_cast %squeeze3A_443 : vector<128xf32> to vector<128x1xf32>
    %mul3A_445 = vector.broadcast %broadcast_in_dim3A_444 : vector<128x1xf32> to vector<128x64xf32>
    %mul3A_446 = arith.mulf %add3A_105, %mul3A_445 : vector<128x64xf32>
    %add3A_447 = arith.addf %add3A_441, %mul3A_446 : vector<128x64xf32>
    %slice3A_448 = vector.extract_strided_slice %add3A_397 {offsets = [0, 8], sizes = [128, 1], strides = [1, 1]} : vector<128x16xf32> to vector<128x1xf32>
    %squeeze3A_449 = vector.shape_cast %slice3A_448 : vector<128x1xf32> to vector<128xf32>
    %broadcast_in_dim3A_450 = vector.shape_cast %squeeze3A_449 : vector<128xf32> to vector<128x1xf32>
    %mul3A_451 = vector.broadcast %broadcast_in_dim3A_450 : vector<128x1xf32> to vector<128x64xf32>
    %mul3A_452 = arith.mulf %add3A_108, %mul3A_451 : vector<128x64xf32>
    %add3A_453 = arith.addf %add3A_447, %mul3A_452 : vector<128x64xf32>
    %slice3A_454 = vector.extract_strided_slice %add3A_397 {offsets = [0, 9], sizes = [128, 1], strides = [1, 1]} : vector<128x16xf32> to vector<128x1xf32>
    %squeeze3A_455 = vector.shape_cast %slice3A_454 : vector<128x1xf32> to vector<128xf32>
    %broadcast_in_dim3A_456 = vector.shape_cast %squeeze3A_455 : vector<128xf32> to vector<128x1xf32>
    %mul3A_457 = vector.broadcast %broadcast_in_dim3A_456 : vector<128x1xf32> to vector<128x64xf32>
    %mul3A_458 = arith.mulf %add3A_111, %mul3A_457 : vector<128x64xf32>
    %add3A_459 = arith.addf %add3A_453, %mul3A_458 : vector<128x64xf32>
    %slice3A_460 = vector.extract_strided_slice %add3A_397 {offsets = [0, 10], sizes = [128, 1], strides = [1, 1]} : vector<128x16xf32> to vector<128x1xf32>
    %squeeze3A_461 = vector.shape_cast %slice3A_460 : vector<128x1xf32> to vector<128xf32>
    %broadcast_in_dim3A_462 = vector.shape_cast %squeeze3A_461 : vector<128xf32> to vector<128x1xf32>
    %mul3A_463 = vector.broadcast %broadcast_in_dim3A_462 : vector<128x1xf32> to vector<128x64xf32>
    %mul3A_464 = arith.mulf %add3A_114, %mul3A_463 : vector<128x64xf32>
    %add3A_465 = arith.addf %add3A_459, %mul3A_464 : vector<128x64xf32>
    %slice3A_466 = vector.extract_strided_slice %add3A_397 {offsets = [0, 11], sizes = [128, 1], strides = [1, 1]} : vector<128x16xf32> to vector<128x1xf32>
    %squeeze3A_467 = vector.shape_cast %slice3A_466 : vector<128x1xf32> to vector<128xf32>
    %broadcast_in_dim3A_468 = vector.shape_cast %squeeze3A_467 : vector<128xf32> to vector<128x1xf32>
    %mul3A_469 = vector.broadcast %broadcast_in_dim3A_468 : vector<128x1xf32> to vector<128x64xf32>
    %mul3A_470 = arith.mulf %add3A_117, %mul3A_469 : vector<128x64xf32>
    %add3A_471 = arith.addf %add3A_465, %mul3A_470 : vector<128x64xf32>
    %slice3A_472 = vector.extract_strided_slice %add3A_397 {offsets = [0, 12], sizes = [128, 1], strides = [1, 1]} : vector<128x16xf32> to vector<128x1xf32>
    %squeeze3A_473 = vector.shape_cast %slice3A_472 : vector<128x1xf32> to vector<128xf32>
    %broadcast_in_dim3A_474 = vector.shape_cast %squeeze3A_473 : vector<128xf32> to vector<128x1xf32>
    %mul3A_475 = vector.broadcast %broadcast_in_dim3A_474 : vector<128x1xf32> to vector<128x64xf32>
    %mul3A_476 = arith.mulf %add3A_120, %mul3A_475 : vector<128x64xf32>
    %add3A_477 = arith.addf %add3A_471, %mul3A_476 : vector<128x64xf32>
    %slice3A_478 = vector.extract_strided_slice %add3A_397 {offsets = [0, 13], sizes = [128, 1], strides = [1, 1]} : vector<128x16xf32> to vector<128x1xf32>
    %squeeze3A_479 = vector.shape_cast %slice3A_478 : vector<128x1xf32> to vector<128xf32>
    %broadcast_in_dim3A_480 = vector.shape_cast %squeeze3A_479 : vector<128xf32> to vector<128x1xf32>
    %mul3A_481 = vector.broadcast %broadcast_in_dim3A_480 : vector<128x1xf32> to vector<128x64xf32>
    %mul3A_482 = arith.mulf %add3A_123, %mul3A_481 : vector<128x64xf32>
    %add3A_483 = arith.addf %add3A_477, %mul3A_482 : vector<128x64xf32>
    %slice3A_484 = vector.extract_strided_slice %add3A_397 {offsets = [0, 14], sizes = [128, 1], strides = [1, 1]} : vector<128x16xf32> to vector<128x1xf32>
    %squeeze3A_485 = vector.shape_cast %slice3A_484 : vector<128x1xf32> to vector<128xf32>
    %broadcast_in_dim3A_486 = vector.shape_cast %squeeze3A_485 : vector<128xf32> to vector<128x1xf32>
    %mul3A_487 = vector.broadcast %broadcast_in_dim3A_486 : vector<128x1xf32> to vector<128x64xf32>
    %mul3A_488 = arith.mulf %add3A_126, %mul3A_487 : vector<128x64xf32>
    %add3A_489 = arith.addf %add3A_483, %mul3A_488 : vector<128x64xf32>
    %slice3A_490 = vector.extract_strided_slice %add3A_397 {offsets = [0, 15], sizes = [128, 1], strides = [1, 1]} : vector<128x16xf32> to vector<128x1xf32>
    %squeeze3A_491 = vector.shape_cast %slice3A_490 : vector<128x1xf32> to vector<128xf32>
    %broadcast_in_dim3A_492 = vector.shape_cast %squeeze3A_491 : vector<128xf32> to vector<128x1xf32>
    %mul3A_493 = vector.broadcast %broadcast_in_dim3A_492 : vector<128x1xf32> to vector<128x64xf32>
    %mul3A_494 = arith.mulf %add3A_129, %mul3A_493 : vector<128x64xf32>
    %add3A_495 = arith.addf %add3A_489, %mul3A_494 : vector<128x64xf32>
    %get3A_496 = arith.constant 0 : index
    %get3A_497 = arith.constant 0 : index
    %get3A_498 = vector.load %arg5[%get3A_496, %get3A_497] : memref<128x64xf32, #tpu.memory_space<vmem>>, vector<128x64xf32>
    %dot_general3A_499 = arith.constant dense<0.000000e+00> : vector<128x128xf32>
    %dot_general3A_500 = tpu.matmul %get3A_498, %add3A_495, %dot_general3A_499 {dimension_numbers = #tpu.dot_dimension_numbers<[1], [1], [0], [0], [0, 0, 1, 0], [], []>, transpose_lhs_hint = false} : vector<128x64xf32>, vector<128x64xf32>, vector<128x128xf32> -> vector<128x128xf32>
    %get3A_501 = arith.constant 0 : index
    %get3A_502 = arith.constant 0 : index
    %get3A_503 = vector.load %arg6[%get3A_501, %get3A_502] : memref<128x1xf32, #tpu.memory_space<vmem>>, vector<128x1xf32>
    %add3A_504 = vector.broadcast %get3A_503 : vector<128x1xf32> to vector<128x128xf32>
    %add3A_505 = arith.addf %dot_general3A_500, %add3A_504 : vector<128x128xf32>
    %get3A_506 = arith.constant 0 : index
    %get3A_507 = arith.constant 0 : index
    %get3A_508 = arith.constant 0 : index
    %get3A_509 = vector.load %arg4[%get3A_506, %get3A_507, %get3A_508] : memref<1x128x128xf32, #tpu.memory_space<vmem>>, vector<1x128x128xf32>
    %get3A_510 = vector.shape_cast %get3A_509 : vector<1x128x128xf32> to vector<128x128xf32>
    %add3A_511 = arith.addf %add3A_505, %get3A_510 : vector<128x128xf32>
    %swap3A = arith.constant 0 : index
    %swap3A_512 = arith.constant 0 : index
    %swap3A_513 = arith.constant 0 : index
    %swap3A_514 = vector.load %arg7[%swap3A, %swap3A_512, %swap3A_513] : memref<1x128x128xf32, #tpu.memory_space<vmem>>, vector<1x128x128xf32>
    %swap3A_515 = vector.shape_cast %swap3A_514 : vector<1x128x128xf32> to vector<128x128xf32>
    %swap3A_516 = vector.shape_cast %add3A_511 : vector<128x128xf32> to vector<1x128x128xf32>
    tpu.vector_store %arg7[%swap3A, %swap3A_512, %swap3A_513], %swap3A_516 {strides = array<i32>} : memref<1x128x128xf32, #tpu.memory_space<vmem>>, vector<1x128x128xf32>,
    return
  }
  func.func @transform_0(%arg0: i32, %arg1: i32) -> (i32, i32, i32, i32) {
    %c0_i32 = arith.constant 0 : i32
    %c0_i32_0 = arith.constant 0 : i32
    %c0_i32_1 = arith.constant 0 : i32
    return %arg0, %c0_i32, %arg1, %c0_i32_0 : i32, i32, i32, i32
  }
  func.func @transform_1(%arg0: i32, %arg1: i32) -> (i32, i32, i32) {
    %c0_i32 = arith.constant 0 : i32
    %c0_i32_0 = arith.constant 0 : i32
    return %arg0, %arg1, %c0_i32 : i32, i32, i32
  }
  func.func @transform_2(%arg0: i32, %arg1: i32) -> (i32, i32, i32) {
    %c0_i32 = arith.constant 0 : i32
    %c0_i32_0 = arith.constant 0 : i32
    return %arg0, %c0_i32, %arg1 : i32, i32, i32
  }
  func.func @transform_3(%arg0: i32, %arg1: i32) -> (i32, i32) {
    %c0_i32 = arith.constant 0 : i32
    %c0_i32_0 = arith.constant 0 : i32
    %c0_i32_1 = arith.constant 0 : i32
    return %c0_i32, %c0_i32_0 : i32, i32
  }
  func.func @transform_4(%arg0: i32, %arg1: i32) -> (i32, i32) {
    %c0_i32 = arith.constant 0 : i32
    %c0_i32_0 = arith.constant 0 : i32
    %c0_i32_1 = arith.constant 0 : i32
    return %c0_i32, %c0_i32_0 : i32, i32
  }
  func.func @transform_5(%arg0: i32, %arg1: i32) -> (i32, i32, i32) {
    %c0_i32 = arith.constant 0 : i32
    %c0_i32_0 = arith.constant 0 : i32
    return %arg0, %c0_i32, %arg1 : i32, i32, i32
  }
}

</mosaic_0001>

<sc_bundles>
// kernel: kernel.11.cloned.1.call-start
scs
__scs_entry_jumppad:
0x0: {  	(pc) =	sbr.rel $0x88, $3  }
0x1: {  	(tag) =	ssettag $0x0;
	lr =	simm.s32 $0x1  }
0x2: {  	[smem:$0x3F97] =	sst lr;
	_ =	strace $0xD0000000  }
0x3: {  	_ = 	snop  }
0x4: {  	_ = 	snop  }
0x5: {  	_ = 	snop  }
0x6: {  	_ = 	snop  }
0x7: {  	_ = 	snop  }
__scs_overlays_trampoline_lowered:
0x8: {  	[smem:$0x3FA6] =	sst s0  }
0x9: {  	[smem:$0x3FA7] =	sst s1  }
0xa: {  	[smem:$0x3FA8] =	sst s2  }
0xb: {  	[smem:$0x3FA9] =	sst s3  }
0xc: {  	[smem:$0x3FAA] =	sst s4  }
0xd: {  	[smem:$0x3FAB] =	sst s5  }
0xe: {  	[smem:$0x3FAC] =	sst s6  }
0xf: {  	[smem:$0x3FAD] =	sst s7  }
0x10: {  	[smem:$0x3FAE] =	sst s8  }
0x11: {  	[smem:$0x3FAF] =	sst s9;
	s0 =	simm.s32 @!p0 $0x0  }
0x12: {  	s1 =	sld [smem:$0x3F95];
	s0 =	simm.s32 @p0 $0x1  }
0x13: {  	[smem:$0x3FB0] =	sst s0;
	s0 =	simm.s32 @!p1 $0x0  }
0x14: {  	s2 =	sld [smem:$0x3F94];
	s0 =	simm.s32 @p1 $0x1  }
0x15: {  	[smem:$0x3FB1] =	sst s0;
	s0 =	simm.s32 @!p2 $0x0  }
0x16: {  	s3 =	sld [smem:$0x3FDB];
	s0 =	simm.s32 @p2 $0x1  }
0x17: {  	s4 =	simm.s32 $0x1BF5;
	[smem:$0x3FB3] =	sst s0  }
0x18: {  	s0 =	sld [smem:$0x3F96];
	_ =	swait.ge [sflag:s4], $0x0  }
0x19: {  	s7 =	sld [smem:$0x3F97]  }
0x1a: {  	s8 =	sadd.s32 $0xFFFFE003, lr  }
0x1b: {  	s9 =	sadd.s32 $0xFFFFFEF7, lr;
	s5 =	simm.s32 $0xFFFFFFFF;
	p2 =	slt.u32 s8, $0xFFFFF086  }
0x1c: {  	p1 =	slt.u32 s9, $0xF7A;
	s5 =	simm.s32 @!p2 $0x0  }
0x1d: {  	s5 =	simm.s32 @p1 $0x1;
	p0 =	seq.s32 s7, s2  }
0x1e: {  	s7 =	smul.u32 @!p0 $0xF7A, s2;
	p2 =	seq.s32 @!p0 s5, $0x0  }
0x1f: {  	s9 =	smul.u32 $0xF7A, s1;
	s8 =	simm.s32 @!p0 $0x1BF5;
	p2 =	por !p2, p0  }
0x20: {  	[sflag:s8] =	ssyncset.s32 @!p0 $0xFFFFF086;
	s6 =	sadd.s32 @!p0 s3, s7;
	s7 =	simm.s32 @!p0 $0x108  }
0x21: {  	s3 =	sadd.s32 s3, s9;
	s6 =	sadd.s32 @!p0 $0x88, s6;
	s7 =	simm.s32 @p2 $0x1082  }
0x22: {  	[simem:s7], [sflag:s8] =	dma.local @!p0 [hbm:s6], $0xF7A  }
0x23: {  	s9 =	sor.u32 $0xD0000000, s2;
	s6 =	simm.s32 $0x108;
	_ =	swait.ge @!p0 [sflag:s8], $0x0  }
0x24: {  	s3 =	sadd.s32 $0x88, s3;
	s6 =	simm.s32 @!p1 $0x1082;
	[sflag:s4] =	ssyncset.s32 $0xFFFFF086  }
0x25: {  	[simem:s6], [sflag:s4] =	dma.local [hbm:s3], $0xF7A  }
0x26: {  	[smem:$0x3F97] =	sst s1;
	(tag) =	ssettag s2;
	_ =	strace s9  }
0x27: {  	s1 =	sld [smem:$0x3FA7]  }
0x28: {  	s2 =	sld [smem:$0x3FA8]  }
0x29: {  	s4 =	sld [smem:$0x3FAA]  }
0x2a: {  	p0 =	seq.s32 s5, $0x0;
	s5 =	sld [smem:$0x3FAB]  }
0x2b: {  	s6 =	sld [smem:$0x3FAC]  }
0x2c: {  	s7 =	sld [smem:$0x3FAD]  }
0x2d: {  	s3 =	simm.s32 $0x108;
	s8 =	sld [smem:$0x3FAE]  }
0x2e: {  	s3 =	simm.s32 @!p0 $0x1082;
	s9 =	sld [smem:$0x3FAF]  }
0x2f: {  	lr =	sadd.s32 s0, s3;
	s0 =	sld [smem:$0x3FA6]  }
0x30: {  	s3 =	sld [smem:$0x3FA9]  }
0x31: {  	[smem:$0x3FB2] =	sst s10  }
0x32: {  	s10 =	sld [smem:$0x3FB0];
	_ =	sdelay $0x3  }
0x33: {  	p0 =	seq.s32 s10, $0x1;
	s10 =	sld [smem:$0x3FB2];
	_ =	sdelay $0x3  }
0x34: {  	[smem:$0x3FB2] =	sst s10  }
0x35: {  	s10 =	sld [smem:$0x3FB1];
	_ =	sdelay $0x3  }
0x36: {  	p1 =	seq.s32 s10, $0x1;
	s10 =	sld [smem:$0x3FB2];
	_ =	sdelay $0x3  }
0x37: {  	[smem:$0x3FB2] =	sst s10  }
0x38: {  	s10 =	sld [smem:$0x3FB3]  }
0x39: {  	_ = 	snop;
	(pc) =	sbr.ind lr, $3  }
0x3a: {  	_ = 	snop  }
0x3b: {  	_ = 	snop  }
0x3c: {  	p2 =	seq.s32 s10, $0x1;
	s10 =	sld [smem:$0x3FB2]  }
0x3d: {  	_ =	shalt  }
0x3e: {  	_ =	shalt  }
0x3f: {  	_ =	shalt  }
0x40: {  	_ =	shalt  }
0x41: {  	_ =	shalt  }
0x42: {  	_ =	shalt  }
0x43: {  	_ =	shalt  }
0x44: {  	_ =	shalt  }
0x45: {  	_ =	shalt  }
0x46: {  	_ =	shalt  }
0x47: {  	_ =	shalt  }
0x48: {  	_ =	shalt  }
0x49: {  	_ =	shalt  }
0x4a: {  	_ =	shalt  }
0x4b: {  	_ =	shalt  }
0x4c: {  	_ =	shalt  }
0x4d: {  	_ =	shalt  }
0x4e: {  	_ =	shalt  }
0x4f: {  	_ =	shalt  }
0x50: {  	_ =	shalt  }
0x51: {  	_ =	shalt  }
0x52: {  	_ =	shalt  }
0x53: {  	_ =	shalt  }
0x54: {  	_ =	shalt  }
0x55: {  	_ =	shalt  }
0x56: {  	_ =	shalt  }
0x57: {  	_ =	shalt  }
0x58: {  	_ =	shalt  }
0x59: {  	_ =	shalt  }
0x5a: {  	_ =	shalt  }
0x5b: {  	_ =	shalt  }
0x5c: {  	_ =	shalt  }
0x5d: {  	_ =	shalt  }
0x5e: {  	_ =	shalt  }
0x5f: {  	_ =	shalt  }
0x60: {  	_ =	shalt  }
0x61: {  	_ =	shalt  }
0x62: {  	_ =	shalt  }
0x63: {  	_ =	shalt  }
0x64: {  	_ =	shalt  }
0x65: {  	_ =	shalt  }
0x66: {  	_ =	shalt  }
0x67: {  	_ =	shalt  }
0x68: {  	_ =	shalt  }
0x69: {  	_ =	shalt  }
0x6a: {  	_ =	shalt  }
0x6b: {  	_ =	shalt  }
0x6c: {  	_ =	shalt  }
0x6d: {  	_ =	shalt  }
0x6e: {  	_ =	shalt  }
0x6f: {  	_ =	shalt  }
0x70: {  	_ =	shalt  }
0x71: {  	_ =	shalt  }
0x72: {  	_ =	shalt  }
0x73: {  	_ =	shalt  }
0x74: {  	_ =	shalt  }
0x75: {  	_ =	shalt  }
0x76: {  	_ =	shalt  }
0x77: {  	_ =	shalt  }
0x78: {  	_ =	shalt  }
0x79: {  	_ =	shalt  }
0x7a: {  	_ =	shalt  }
0x7b: {  	_ =	shalt  }
0x7c: {  	_ =	shalt  }
0x7d: {  	_ =	shalt  }
0x7e: {  	_ =	shalt  }
0x7f: {  	_ =	shalt  }
0x80: {  	_ =	shalt  }
0x81: {  	_ =	shalt  }
0x82: {  	_ =	shalt  }
0x83: {  	_ =	shalt  }
0x84: {  	_ =	shalt  }
0x85: {  	_ =	shalt  }
0x86: {  	_ =	shalt  }
0x87: {  	_ =	shalt  }
.Lfunc_end0:
.L_simem_size_0:
called_computation.1_lowered:
.L_overlay_start_0:
0x88: {  	s2 =	sld [smem:$0x3FD9]  }
0x89: {  	s3 =	sld [smem:$0x3FFE];
	_ =	sdelay $0x1  }
0x8a: {  	s1 =	srdreg.scid  }
0x8b: {  	s0 =	sand.u32 $0x1, s1  }
0x8c: {  	s17 =	sshll.u32 s0, $0xA;
	s2 =	sadd.s32 s3, s2  }
0x8d: {  	s2 =	sadd.s32 s2, s17  }
0x8e: {  	[smem:$0x3FBE] =	sst s2  }
0x8f: {  	_ = 	snop  }
0x90: {  	s18 =	sld [smem:$0x3FD0];
	(tm) =	ssettm $0x1  }
0x91: {  	s19 =	sld [smem:$0x3FFB];
	_ =	sdelay $0x3  }
0x92: {  	_ =	strace s19  }
0x93: {  	s2 =	sld [smem:$0x3FFC];
	_ =	sdelay $0x3  }
0x94: {  	_ =	strace s2  }
0x95: {  	s2 =	sld [smem:$0x3FFD];
	_ =	sdelay $0x3  }
0x96: {  	_ =	strace s2  }
0x97: {  	_ =	strace $0x8FFFFFFF  }
0x98: {  	s20 =	sld [smem:$0x3FDB];
	_ =	sdelay $0x1  }
0x99: {  	s4 =	simm.s32 $_scs_section_size  }
0x9a: {  	s5 =	simm.s32 $_size__tile_overlayer_lowered;
	s6 =	simm.s32 $_tile_overlayer_lowered  }
0x9b: {  	s7 =	simm.s32 $0x1BFF;
	s21 =	sshll.u32 s6, $0x1;
	s4 =	sadd.s32 s4, s20  }
0x9c: {  	s22 =	simm.s32 $0x0;
	s5 =	sshll.u32 s5, $0x1;
	s6 =	sadd.s32 s21, s4  }
0x9d: {  	[timem:s22], [sflag:s7] =	dma.local [hbm:s6], s5  }
0x9e: {  	_ =	swait.ge [sflag:s7], s5  }
0x9f: {  	s5 =	ssub.s32 $0x0, s5;
	[sflag:s7] =	ssyncset.done $0x0  }
0xa0: {  	[sflag:s7] =	ssyncadd.s32 s5;
	_ =	sdelay $0x1  }
0xa1: {  	s23 =	simm.s32 $0x1B8B  }
0xa2: {  	_ =	swait.ge [sflag:s23], $0x1  }
0xa3: {  	[sflag:s23] =	ssyncset.done $0x0  }
0xa4: {  	[sflag:s23] =	ssyncadd.s32 $0xFFFFFFFF  }
0xa5: {  	s5 =	sld [smem:$0x0]  }
0xa6: {  	s6 =	sand.u32 $0xFFFFFFFE, s1  }
0xa7: {  	p0 =	sne.s32 s1, s6  }
0xa8: {  	s6 =	sshll.u32 @p0 s6, $0xE  }
0xa9: {  	s6 =	sadd.s32 @p0 $0x11B8D, s6;
	s7 =	sshll.u32 @p0 s5, $0x11  }
0xaa: {  	s6 =	sor.u32 @p0 s7, s6  }
0xab: {  	[sflag:s6] =	ssyncadd.remote.s32 @p0 $0x1;
	_ =	sdelay $0x1  }
0xac: {  	s6 =	simm.s32 @p0 $0x1B8D  }
0xad: {  	_ =	swait.eq @p0 [sflag:s6], $0x1  }
0xae: {  	[sflag:s6] =	ssyncadd.s32 @p0 $0xFFFFFFFF  }
0xaf: {  	s7 =	sshll.u32 @!p0 s1, $0xE  }
0xb0: {  	s7 =	sor.u32 @!p0 $0x4000, s7;
	s6 =	simm.s32 @!p0 $0x1B8D  }
0xb1: {  	s5 =	sshll.u32 @!p0 s5, $0x11;
	s7 =	sadd.s32 @!p0 $0x11B8D, s7;
	_ =	swait.eq @!p0 [sflag:s6], $0x1  }
0xb2: {  	s5 =	sor.u32 @!p0 s5, s7;
	[sflag:s6] =	ssyncadd.s32 @!p0 $0xFFFFFFFF  }
0xb3: {  	s25 =	simm.s32 $0x1B8E;
	s24 =	sld [smem:$0x3FFE];
	[sflag:s5] =	ssyncadd.remote.s32 @!p0 $0x1  }
0xb4: {  	s26 =	simm.s32 $execute0_lowered;
	[smem:$0x3FD2] =	sst s25  }
0xb5: {  	s6 =	sshll.u32 s26, $0x1;
	_ =	strace $0x80000049;
	[dreg:$0x1] =	wrdreg $0xFFFFFFFF  }
0xb6: {  	s28 =	simm.s32 $_size_execute0_lowered;
	s4 =	sadd.s32 s4, s6;
	[dreg:$0x0] =	wrdreg $0x0  }
0xb7: {  	s6 =	sshll.u32 s28, $0x1;
	[dreg:$0x2] =	wrdreg s4  }
0xb8: {  	[dreg:$0x3] =	wrdreg s6  }
0xb9: {  	[dreg:$0x4] =	wrdreg $0xC0  }
0xba: {  	_ =	task [dreg:s22], $0x5FFFF  }
0xbb: {  	[dreg:$0x1] =	wrdreg $0xFFFFFFFF  }
0xbc: {  	[dreg:$0x0] =	wrdreg $0x60  }
0xbd: {  	[dreg:$0x2] =	wrdreg s18  }
0xbe: {  	[dreg:$0x3] =	wrdreg s24  }
0xbf: {  	[dreg:$0x4] =	wrdreg $0xA  }
0xc0: {  	_ =	task.clear_ibuf [dreg:s22], $0x5FFFF;
	_ =	strace $0x90000049  }
0xc1: {  	s29 =	simm.s32 $0xA;
	_ =	strace $0x8000004B  }
0xc2: {  	_ =	swait.ge [sflag:s29], $0x1  }
0xc3: {  	[sflag:s29] =	ssyncadd.s32 $0xFFFFFFFF  }
0xc4: {  	_ =	strace $0x9000004B  }
0xc5: {  	_ =	sfence  }
0xc6: {  	s30 =	sld [smem:$0x0];
	_ =	sdelay $0x2  }
0xc7: {  	s31 =	sshll.u32 s1, $0xD;
	s1 =	sshrl.u32 s1, $0x2  }
0xc8: {  	s4 =	sand.u32 $0x4000, s31;
	s1 =	sadd.s32 s1, s30  }
0xc9: {  	s0 =	sor.u32 s4, s0;
	s1 =	sshll.u32 s1, $0x11  }
0xca: {  	s0 =	sor.u32 s1, s0  }
0xcb: {  	s0 =	sadd.s32 $0x8F2B, s0  }
0xcc: {  	[sflag:s0] =	ssyncadd.remote.s32 $0x1  }
0xcd: {  	_ =	sfence.sel $0xFFFF  }
0xce: {  	[dreg:$0x0] =	wrdreg $0xFFFFFFFF;
	(pc) =	sbr.abs _section_cstart, $3  }
0xcf: {  	[dreg:$0x1] =	wrdreg $0xFFFFFFFF  }
0xd0: {  	_ =	task.clear_ibuf [dreg:s22], $0x2FFFF;
	_ =	strace $0x9FFFFFFF  }
0xd1: {  	(tm) =	ssettm $0x7FFFFFFF  }
tec
execute0_lowered:
.L_overlay_start_1:
0x0: {  	(tag) =	ssettag $0x1  }
0x1: {  	s1 =	rddreg [dreg:$0x0]  }
0x2: {  	s4 =	rddreg [dreg:$0x1]  }
0x3: {  	s0 =	rddreg [dreg:$0x2];
	s5 =	srdreg.scid  }
0x4: {  	s3 =	simm.s32 $0x0;
	s2 =	stileid.u32;
	s10 =	simm.s32 $0x1080  }
0x5: {  	s11 =	simm.s32 $0x1880;
	s12 =	simm.s32 $0x2080;
	s13 =	simm.s32 $0x2880  }
0x6: {  	s14 =	simm.s32 $0x3080;
	s15 =	simm.s32 $0x3880;
	s16 =	simm.s32 $0x4080  }
0x7: {  	s17 =	simm.s32 $0x4880;
	s18 =	simm.s32 $0x5080;
	s19 =	simm.s32 $0x5880  }
0x8: {  	s20 =	simm.s32 $0x6080;
	s21 =	simm.s32 $0x6880;
	s22 =	simm.s32 $0x7080  }
0x9: {  	s23 =	simm.s32 $0x7880;
	s24 =	simm.s32 $0x1;
	s25 =	simm.s32 $0x0  }
0xa: {  	s5 =	sand.u32 $0x1, s5;
	[smem:$0x7FF] =	sst s3;
	s6 =	sshll.u32 s2, $0xC  }
0xb: {  	s8 =	sshll.u32 s2, $0x11;
	s7 =	sshll.u32 s5, $0xB;
	_ =	strace $0x8000004A  }
0xc: {  	s31 =	ssub.s32 $0x2, s5;
	s8 =	sadd.s32 s8, s4;
	s5 =	sshll.u32 s5, $0x10  }
0xd: {  	s6 =	sor.u32 s7, s6;
	s9 =	sshrl.u32 s31, $0x1;
	s5 =	sadd.s32 s5, s8  }
0xe: {  	v2 =	vlaneseq.u32;
	s8 =	simm.s32 $0x80;
	s6 =	sshrl.u32 s6, $0x3;
	s7 =	ssub.s32 s31, s9  }
0xf: {  	vm0 =	vmmov $0xffff;
	v1 =	vshrl.u32 v2, $0x3;
	s5 =	sadd.s32 $0x247800, s5;
	s9 =	simm.s32 $0x880;
	s6 =	sadd.s32 s6, s4  }
0x10: {  	v0 =	vand.u32 $0x7, v2;
	v2 =	vor.u32 $0x8, v2;
	v1 =	vmul.u32 $0x8, v1;
	s4 =	smax.u32 s7, $0x1;
	s7 =	simm.s32 $0x2;
	s6 =	sadd.s32 $0x245800, s6  }
.LBB2_1:
0x11: {  	s26 =	smov.u32 s5;
	s28 =	simm.s32 $0x0  }
.LBB2_2:
0x12: {  	s29 =	sadd.s32 s28, s6  }
0x13: {  	[tilespmem:s3], [sflag:$0x2] =	stream.linear.gather [hbm4b:s29+s3], $0x80, $0x38;
	[tilespmem:$0x8080] =	vst v63  }
0x14: {  	_ =	swait.ge [sflag:s7], $0x80  }
0x15: {  	[sflag:s7] =	ssyncset.done $0x0  }
0x16: {  	[sflag:s7] =	ssyncadd.s32 $0xFFFFFF80  }
0x17: {  	v3 =	vld [tilespmem:$0x0];
	_ =	sdelay $0x4  }
0x18: {  	v4 =	vshll.u32 v3, $0x1  }
0x19: {  	v3 =	vand.u32 $0x7, v3;
	v4 =	vand.u32 $0xFFFFFFF0, v4  }
0x1a: {  	v3 =	vor.u32 v3, v4  }
0x1b: {  	v4 =	vperm.xlane v3, v0;
	_ =	sdelay $0x1  }
0x1c: {  	v3 =	vperm.xlane v3, v2;
	v4 =	vadd.s32 v1, v4;
	_ =	sdelay $0x1  }
0x1d: {  	v3 =	vadd.s32 v1, v3;
	_ =	sdelay $0x2  }
0x1e: {  	[tilespmem:s8], [sflag:$0x1] =	stream.indirect_vreg.gather [hbm4b:s1+s3], $0x80, v4, vm0, $0xb8;
	[tilespmem:$0x8080] =	vst v63  }
0x1f: {  	_ = 	snop  }
0x20: {  	[tilespmem:s9], [sflag:$0x1] =	stream.indirect_vreg.gather [hbm4b:s1+s3], $0x80, v3, vm0, $0xb8;
	[tilespmem:$0x8080] =	vst v63  }
0x21: {  	v3 =	vld [tilespmem:$0x10];
	_ =	sdelay $0x4  }
0x22: {  	v57 =	vshll.u32 v3, $0x1  }
0x23: {  	v3 =	vand.u32 $0x7, v3;
	v4 =	vand.u32 $0xFFFFFFF0, v57  }
0x24: {  	v3 =	vor.u32 v3, v4  }
0x25: {  	v4 =	vperm.xlane v3, v0;
	_ =	sdelay $0x1  }
0x26: {  	v3 =	vperm.xlane v3, v2;
	v4 =	vadd.s32 v1, v4;
	_ =	sdelay $0x1  }
0x27: {  	v3 =	vadd.s32 v1, v3;
	_ =	sdelay $0x2  }
0x28: {  	[tilespmem:s10], [sflag:$0x1] =	stream.indirect_vreg.gather [hbm4b:s1+s3], $0x80, v4, vm0, $0xb8;
	[tilespmem:$0x8080] =	vst v63  }
0x29: {  	_ = 	snop  }
0x2a: {  	[tilespmem:s11], [sflag:$0x1] =	stream.indirect_vreg.gather [hbm4b:s1+s3], $0x80, v3, vm0, $0xb8;
	[tilespmem:$0x8080] =	vst v63  }
0x2b: {  	v3 =	vld [tilespmem:$0x20];
	_ =	sdelay $0x4  }
0x2c: {  	v58 =	vshll.u32 v3, $0x1  }
0x2d: {  	v3 =	vand.u32 $0x7, v3;
	v4 =	vand.u32 $0xFFFFFFF0, v58  }
0x2e: {  	v3 =	vor.u32 v3, v4  }
0x2f: {  	v4 =	vperm.xlane v3, v0;
	_ =	sdelay $0x1  }
0x30: {  	v3 =	vperm.xlane v3, v2;
	v4 =	vadd.s32 v1, v4;
	_ =	sdelay $0x1  }
0x31: {  	v3 =	vadd.s32 v1, v3;
	_ =	sdelay $0x2  }
0x32: {  	[tilespmem:s12], [sflag:$0x1] =	stream.indirect_vreg.gather [hbm4b:s1+s3], $0x80, v4, vm0, $0xb8;
	[tilespmem:$0x8080] =	vst v63  }
0x33: {  	_ = 	snop  }
0x34: {  	[tilespmem:s13], [sflag:$0x1] =	stream.indirect_vreg.gather [hbm4b:s1+s3], $0x80, v3, vm0, $0xb8;
	[tilespmem:$0x8080] =	vst v63  }
0x35: {  	v3 =	vld [tilespmem:$0x30];
	_ =	sdelay $0x4  }
0x36: {  	v59 =	vshll.u32 v3, $0x1  }
0x37: {  	v3 =	vand.u32 $0x7, v3;
	v4 =	vand.u32 $0xFFFFFFF0, v59  }
0x38: {  	v3 =	vor.u32 v3, v4  }
0x39: {  	v4 =	vperm.xlane v3, v0;
	_ =	sdelay $0x1  }
0x3a: {  	v3 =	vperm.xlane v3, v2;
	v4 =	vadd.s32 v1, v4;
	_ =	sdelay $0x1  }
0x3b: {  	v3 =	vadd.s32 v1, v3;
	_ =	sdelay $0x2  }
0x3c: {  	[tilespmem:s14], [sflag:$0x1] =	stream.indirect_vreg.gather [hbm4b:s1+s3], $0x80, v4, vm0, $0xb8;
	[tilespmem:$0x8080] =	vst v63  }
0x3d: {  	_ = 	snop  }
0x3e: {  	[tilespmem:s15], [sflag:$0x1] =	stream.indirect_vreg.gather [hbm4b:s1+s3], $0x80, v3, vm0, $0xb8;
	[tilespmem:$0x8080] =	vst v63  }
0x3f: {  	v3 =	vld [tilespmem:$0x40];
	_ =	sdelay $0x4  }
0x40: {  	v60 =	vshll.u32 v3, $0x1  }
0x41: {  	v3 =	vand.u32 $0x7, v3;
	v4 =	vand.u32 $0xFFFFFFF0, v60  }
0x42: {  	v3 =	vor.u32 v3, v4  }
0x43: {  	v4 =	vperm.xlane v3, v0;
	_ =	sdelay $0x1  }
0x44: {  	v3 =	vperm.xlane v3, v2;
	v4 =	vadd.s32 v1, v4;
	_ =	sdelay $0x1  }
0x45: {  	v3 =	vadd.s32 v1, v3;
	_ =	sdelay $0x2  }
0x46: {  	[tilespmem:s16], [sflag:$0x1] =	stream.indirect_vreg.gather [hbm4b:s1+s3], $0x80, v4, vm0, $0xb8;
	[tilespmem:$0x8080] =	vst v63  }
0x47: {  	_ = 	snop  }
0x48: {  	[tilespmem:s17], [sflag:$0x1] =	stream.indirect_vreg.gather [hbm4b:s1+s3], $0x80, v3, vm0, $0xb8;
	[tilespmem:$0x8080] =	vst v63  }
0x49: {  	v3 =	vld [tilespmem:$0x50];
	_ =	sdelay $0x4  }
0x4a: {  	v61 =	vshll.u32 v3, $0x1  }
0x4b: {  	v3 =	vand.u32 $0x7, v3;
	v4 =	vand.u32 $0xFFFFFFF0, v61  }
0x4c: {  	v3 =	vor.u32 v3, v4  }
0x4d: {  	v4 =	vperm.xlane v3, v0;
	_ =	sdelay $0x1  }
0x4e: {  	v3 =	vperm.xlane v3, v2;
	v4 =	vadd.s32 v1, v4;
	_ =	sdelay $0x1  }
0x4f: {  	v3 =	vadd.s32 v1, v3;
	_ =	sdelay $0x2  }
0x50: {  	[tilespmem:s18], [sflag:$0x1] =	stream.indirect_vreg.gather [hbm4b:s1+s3], $0x80, v4, vm0, $0xb8;
	[tilespmem:$0x8080] =	vst v63  }
0x51: {  	_ = 	snop  }
0x52: {  	[tilespmem:s19], [sflag:$0x1] =	stream.indirect_vreg.gather [hbm4b:s1+s3], $0x80, v3, vm0, $0xb8;
	[tilespmem:$0x8080] =	vst v63  }
0x53: {  	v3 =	vld [tilespmem:$0x60];
	_ =	sdelay $0x4  }
0x54: {  	v62 =	vshll.u32 v3, $0x1  }
0x55: {  	v3 =	vand.u32 $0x7, v3;
	v4 =	vand.u32 $0xFFFFFFF0, v62  }
0x56: {  	v3 =	vor.u32 v3, v4  }
0x57: {  	v4 =	vperm.xlane v3, v0;
	_ =	sdelay $0x1  }
0x58: {  	v3 =	vperm.xlane v3, v2;
	v4 =	vadd.s32 v1, v4;
	_ =	sdelay $0x1  }
0x59: {  	v3 =	vadd.s32 v1, v3;
	_ =	sdelay $0x2  }
0x5a: {  	[tilespmem:s20], [sflag:$0x1] =	stream.indirect_vreg.gather [hbm4b:s1+s3], $0x80, v4, vm0, $0xb8;
	[tilespmem:$0x8080] =	vst v63  }
0x5b: {  	_ = 	snop  }
0x5c: {  	[tilespmem:s21], [sflag:$0x1] =	stream.indirect_vreg.gather [hbm4b:s1+s3], $0x80, v3, vm0, $0xb8;
	[tilespmem:$0x8080] =	vst v63  }
0x5d: {  	v3 =	vld [tilespmem:$0x70];
	_ =	sdelay $0x4  }
0x5e: {  	v63 =	vshll.u32 v3, $0x1  }
0x5f: {  	v3 =	vand.u32 $0x7, v3;
	v4 =	vand.u32 $0xFFFFFFF0, v63  }
0x60: {  	v3 =	vor.u32 v3, v4  }
0x61: {  	v4 =	vperm.xlane v3, v0;
	_ =	sdelay $0x1  }
0x62: {  	v3 =	vperm.xlane v3, v2;
	v4 =	vadd.s32 v1, v4;
	_ =	sdelay $0x1  }
0x63: {  	v3 =	vadd.s32 v1, v3;
	_ =	sdelay $0x2  }
0x64: {  	[tilespmem:s22], [sflag:$0x1] =	stream.indirect_vreg.gather [hbm4b:s1+s3], $0x80, v4, vm0, $0xb8;
	[tilespmem:$0x8080] =	vst v63  }
0x65: {  	_ = 	snop  }
0x66: {  	[tilespmem:s23], [sflag:$0x1] =	stream.indirect_vreg.gather [hbm4b:s1+s3], $0x80, v3, vm0, $0xb8;
	[tilespmem:$0x8080] =	vst v63  }
0x67: {  	_ =	swait.ge [sflag:s24], $0x8000  }
0x68: {  	p0 =	sne.s32 s28, $0xF0;
	[sflag:s24] =	ssyncset.done $0x0  }
.Ltmp0:
0x69: {  	[sflag:s24] =	ssyncadd.s32 $0xFFFF8000;
	(pc) =	sbr.rel @p0 .LBB2_2-.Ltmp0, $4  }
0x6a: {  	[hbm4b:s26+s3] =	stream.linear.scatter [tilespmem:s8], [sflag:$0x2], $0x8000, $0x38;
	[tilespmem:$0x8080] =	vst v63  }
0x6b: {  	_ =	swait.ge [sflag:s7], $0x8000  }
0x6c: {  	[sflag:s7] =	ssyncset.done $0x0  }
0x6d: {  	s28 =	sadd.s32 $0x10, s28;
	s26 =	sadd.s32 $0x1000, s26;
	[sflag:s7] =	ssyncadd.s32 $0xFFFF8000  }
0x6e: {  	s25 =	sadd.s32 $0x1, s25  }
0x6f: {  	p0 =	sne.s32 s25, s4  }
.Ltmp1:
0x70: {  	_ = 	snop;
	(pc) =	sbr.rel @p0 .LBB2_1-.Ltmp1, $1  }
0x71: {  	_ =	sdelay $0x3  }
0x72: {  	_ =	sfence.sel $0x180000  }
0x73: {  	[bflag:$0x0] =	sbarrier.arrive $0xFFFF  }
0x74: {  	p0 =	sne.s32 s2, $0x0;
	_ =	strace $0x9000004A  }
0x75: {  	s0 =	sadd.s32 @!p0 $0x100000, s0;
	[bflag:$0x2] =	sbarrier.arrive $0xFFFF  }
0x76: {  	[sflag:s0] =	ssyncadd.tile.s32 @!p0 $0x1;
	_ =	shalt  }
.Lfunc_end2:
_tile_overlayer_lowered:
.L_overlay_start_2:
0x77: {  	(tag) =	ssettag $0x2  }
0x78: {  	s0 =	rddreg [dreg:$0x0];
	s2 =	stileid.u32  }
0x79: {  	s1 =	rddreg [dreg:$0x1];
	p0 =	sne.s32 s2, $0x0  }
0x7a: {  	s3 =	rddreg [dreg:$0x2];
	[bflag:$0x3] =	sbarrier.arrive $0xFFFF;
	s2 =	simm.s32 @!p0 $0x1C02  }
0x7b: {  	[timem:s3], [sflag:s2] =	dma.local @!p0 [hbm:s0], s1  }
0x7c: {  	s0 =	simm.s32 @!p0 $0x2  }
0x7d: {  	_ =	swait.ge @!p0 [sflag:s0], s1  }
0x7e: {  	s1 =	ssub.s32 @!p0 $0x0, s1;
	[sflag:s0] =	ssyncset.done @!p0 $0x0  }
0x7f: {  	[sflag:s0] =	ssyncadd.s32 @!p0 s1  }
0x80: {  	[bflag:$0x3] =	sbarrier.arrive $0xFFFF  }
0x81: {  	_ =	shalt  }

// kernel: kernel.8.cloned.1.call-start
scs
__scs_entry_jumppad:
0x0: {  	(pc) =	sbr.rel $0x88, $3  }
0x1: {  	(tag) =	ssettag $0x0;
	lr =	simm.s32 $0x1  }
0x2: {  	[smem:$0x3F97] =	sst lr;
	_ =	strace $0xD0000000  }
0x3: {  	_ = 	snop  }
0x4: {  	_ = 	snop  }
0x5: {  	_ = 	snop  }
0x6: {  	_ = 	snop  }
0x7: {  	_ = 	snop  }
__scs_overlays_trampoline_lowered:
0x8: {  	[smem:$0x3FA6] =	sst s0  }
0x9: {  	[smem:$0x3FA7] =	sst s1  }
0xa: {  	[smem:$0x3FA8] =	sst s2  }
0xb: {  	[smem:$0x3FA9] =	sst s3  }
0xc: {  	[smem:$0x3FAA] =	sst s4  }
0xd: {  	[smem:$0x3FAB] =	sst s5  }
0xe: {  	[smem:$0x3FAC] =	sst s6  }
0xf: {  	[smem:$0x3FAD] =	sst s7  }
0x10: {  	[smem:$0x3FAE] =	sst s8  }
0x11: {  	[smem:$0x3FAF] =	sst s9;
	s0 =	simm.s32 @!p0 $0x0  }
0x12: {  	s1 =	sld [smem:$0x3F95];
	s0 =	simm.s32 @p0 $0x1  }
0x13: {  	[smem:$0x3FB0] =	sst s0;
	s0 =	simm.s32 @!p1 $0x0  }
0x14: {  	s2 =	sld [smem:$0x3F94];
	s0 =	simm.s32 @p1 $0x1  }
0x15: {  	[smem:$0x3FB1] =	sst s0;
	s0 =	simm.s32 @!p2 $0x0  }
0x16: {  	s3 =	sld [smem:$0x3FDB];
	s0 =	simm.s32 @p2 $0x1  }
0x17: {  	s4 =	simm.s32 $0x1BF5;
	[smem:$0x3FB3] =	sst s0  }
0x18: {  	s0 =	sld [smem:$0x3F96];
	_ =	swait.ge [sflag:s4], $0x0  }
0x19: {  	s7 =	sld [smem:$0x3F97]  }
0x1a: {  	s8 =	sadd.s32 $0xFFFFE003, lr  }
0x1b: {  	s9 =	sadd.s32 $0xFFFFFEF7, lr;
	s5 =	simm.s32 $0xFFFFFFFF;
	p2 =	slt.u32 s8, $0xFFFFF086  }
0x1c: {  	p1 =	slt.u32 s9, $0xF7A;
	s5 =	simm.s32 @!p2 $0x0  }
0x1d: {  	s5 =	simm.s32 @p1 $0x1;
	p0 =	seq.s32 s7, s2  }
0x1e: {  	s7 =	smul.u32 @!p0 $0xF7A, s2;
	p2 =	seq.s32 @!p0 s5, $0x0  }
0x1f: {  	s9 =	smul.u32 $0xF7A, s1;
	s8 =	simm.s32 @!p0 $0x1BF5;
	p2 =	por !p2, p0  }
0x20: {  	[sflag:s8] =	ssyncset.s32 @!p0 $0xFFFFF086;
	s6 =	sadd.s32 @!p0 s3, s7;
	s7 =	simm.s32 @!p0 $0x108  }
0x21: {  	s3 =	sadd.s32 s3, s9;
	s6 =	sadd.s32 @!p0 $0x88, s6;
	s7 =	simm.s32 @p2 $0x1082  }
0x22: {  	[simem:s7], [sflag:s8] =	dma.local @!p0 [hbm:s6], $0xF7A  }
0x23: {  	s9 =	sor.u32 $0xD0000000, s2;
	s6 =	simm.s32 $0x108;
	_ =	swait.ge @!p0 [sflag:s8], $0x0  }
0x24: {  	s3 =	sadd.s32 $0x88, s3;
	s6 =	simm.s32 @!p1 $0x1082;
	[sflag:s4] =	ssyncset.s32 $0xFFFFF086  }
0x25: {  	[simem:s6], [sflag:s4] =	dma.local [hbm:s3], $0xF7A  }
0x26: {  	[smem:$0x3F97] =	sst s1;
	(tag) =	ssettag s2;
	_ =	strace s9  }
0x27: {  	s1 =	sld [smem:$0x3FA7]  }
0x28: {  	s2 =	sld [smem:$0x3FA8]  }
0x29: {  	s4 =	sld [smem:$0x3FAA]  }
0x2a: {  	p0 =	seq.s32 s5, $0x0;
	s5 =	sld [smem:$0x3FAB]  }
0x2b: {  	s6 =	sld [smem:$0x3FAC]  }
0x2c: {  	s7 =	sld [smem:$0x3FAD]  }
0x2d: {  	s3 =	simm.s32 $0x108;
	s8 =	sld [smem:$0x3FAE]  }
0x2e: {  	s3 =	simm.s32 @!p0 $0x1082;
	s9 =	sld [smem:$0x3FAF]  }
0x2f: {  	lr =	sadd.s32 s0, s3;
	s0 =	sld [smem:$0x3FA6]  }
0x30: {  	s3 =	sld [smem:$0x3FA9]  }
0x31: {  	[smem:$0x3FB2] =	sst s10  }
0x32: {  	s10 =	sld [smem:$0x3FB0];
	_ =	sdelay $0x3  }
0x33: {  	p0 =	seq.s32 s10, $0x1;
	s10 =	sld [smem:$0x3FB2];
	_ =	sdelay $0x3  }
0x34: {  	[smem:$0x3FB2] =	sst s10  }
0x35: {  	s10 =	sld [smem:$0x3FB1];
	_ =	sdelay $0x3  }
0x36: {  	p1 =	seq.s32 s10, $0x1;
	s10 =	sld [smem:$0x3FB2];
	_ =	sdelay $0x3  }
0x37: {  	[smem:$0x3FB2] =	sst s10  }
0x38: {  	s10 =	sld [smem:$0x3FB3]  }
0x39: {  	_ = 	snop;
	(pc) =	sbr.ind lr, $3  }
0x3a: {  	_ = 	snop  }
0x3b: {  	_ = 	snop  }
0x3c: {  	p2 =	seq.s32 s10, $0x1;
	s10 =	sld [smem:$0x3FB2]  }
0x3d: {  	_ =	shalt  }
0x3e: {  	_ =	shalt  }
0x3f: {  	_ =	shalt  }
0x40: {  	_ =	shalt  }
0x41: {  	_ =	shalt  }
0x42: {  	_ =	shalt  }
0x43: {  	_ =	shalt  }
0x44: {  	_ =	shalt  }
0x45: {  	_ =	shalt  }
0x46: {  	_ =	shalt  }
0x47: {  	_ =	shalt  }
0x48: {  	_ =	shalt  }
0x49: {  	_ =	shalt  }
0x4a: {  	_ =	shalt  }
0x4b: {  	_ =	shalt  }
0x4c: {  	_ =	shalt  }
0x4d: {  	_ =	shalt  }
0x4e: {  	_ =	shalt  }
0x4f: {  	_ =	shalt  }
0x50: {  	_ =	shalt  }
0x51: {  	_ =	shalt  }
0x52: {  	_ =	shalt  }
0x53: {  	_ =	shalt  }
0x54: {  	_ =	shalt  }
0x55: {  	_ =	shalt  }
0x56: {  	_ =	shalt  }
0x57: {  	_ =	shalt  }
0x58: {  	_ =	shalt  }
0x59: {  	_ =	shalt  }
0x5a: {  	_ =	shalt  }
0x5b: {  	_ =	shalt  }
0x5c: {  	_ =	shalt  }
0x5d: {  	_ =	shalt  }
0x5e: {  	_ =	shalt  }
0x5f: {  	_ =	shalt  }
0x60: {  	_ =	shalt  }
0x61: {  	_ =	shalt  }
0x62: {  	_ =	shalt  }
0x63: {  	_ =	shalt  }
0x64: {  	_ =	shalt  }
0x65: {  	_ =	shalt  }
0x66: {  	_ =	shalt  }
0x67: {  	_ =	shalt  }
0x68: {  	_ =	shalt  }
0x69: {  	_ =	shalt  }
0x6a: {  	_ =	shalt  }
0x6b: {  	_ =	shalt  }
0x6c: {  	_ =	shalt  }
0x6d: {  	_ =	shalt  }
0x6e: {  	_ =	shalt  }
0x6f: {  	_ =	shalt  }
0x70: {  	_ =	shalt  }
0x71: {  	_ =	shalt  }
0x72: {  	_ =	shalt  }
0x73: {  	_ =	shalt  }
0x74: {  	_ =	shalt  }
0x75: {  	_ =	shalt  }
0x76: {  	_ =	shalt  }
0x77: {  	_ =	shalt  }
0x78: {  	_ =	shalt  }
0x79: {  	_ =	shalt  }
0x7a: {  	_ =	shalt  }
0x7b: {  	_ =	shalt  }
0x7c: {  	_ =	shalt  }
0x7d: {  	_ =	shalt  }
0x7e: {  	_ =	shalt  }
0x7f: {  	_ =	shalt  }
0x80: {  	_ =	shalt  }
0x81: {  	_ =	shalt  }
0x82: {  	_ =	shalt  }
0x83: {  	_ =	shalt  }
0x84: {  	_ =	shalt  }
0x85: {  	_ =	shalt  }
0x86: {  	_ =	shalt  }
0x87: {  	_ =	shalt  }
.Lfunc_end0:
.L_simem_size_0:
called_computation_lowered:
.L_overlay_start_0:
0x88: {  	s2 =	sld [smem:$0x3FD9]  }
0x89: {  	s3 =	sld [smem:$0x3FFE];
	_ =	sdelay $0x1  }
0x8a: {  	s1 =	srdreg.scid  }
0x8b: {  	s0 =	sand.u32 $0x1, s1  }
0x8c: {  	s16 =	sshll.u32 s0, $0xA;
	s2 =	sadd.s32 s3, s2  }
0x8d: {  	s2 =	sadd.s32 s2, s16  }
0x8e: {  	[smem:$0x3FBE] =	sst s2  }
0x8f: {  	_ = 	snop  }
0x90: {  	(tm) =	ssettm $0x1  }
0x91: {  	s17 =	sld [smem:$0x3FFB];
	_ =	sdelay $0x3  }
0x92: {  	_ =	strace s17  }
0x93: {  	s2 =	sld [smem:$0x3FFC];
	_ =	sdelay $0x3  }
0x94: {  	_ =	strace s2  }
0x95: {  	s2 =	sld [smem:$0x3FFD];
	_ =	sdelay $0x3  }
0x96: {  	_ =	strace s2  }
0x97: {  	_ =	strace $0x8FFFFFFF  }
0x98: {  	s18 =	sld [smem:$0x3FDB];
	_ =	sdelay $0x1  }
0x99: {  	s19 =	simm.s32 $_scs_section_size  }
0x9a: {  	s4 =	simm.s32 $_size__tile_overlayer_lowered;
	s5 =	simm.s32 $_tile_overlayer_lowered  }
0x9b: {  	s22 =	simm.s32 $0x1BFF;
	s21 =	sshll.u32 s5, $0x1;
	s2 =	sadd.s32 s19, s18  }
0x9c: {  	s6 =	simm.s32 $0x0;
	s20 =	sshll.u32 s4, $0x1;
	s4 =	sadd.s32 s21, s2  }
0x9d: {  	[timem:s6], [sflag:s22] =	dma.local [hbm:s4], s20  }
0x9e: {  	_ =	swait.ge [sflag:s22], s20  }
0x9f: {  	s3 =	ssub.s32 $0x0, s20;
	[sflag:s22] =	ssyncset.done $0x0  }
0xa0: {  	[sflag:s22] =	ssyncadd.s32 s3;
	_ =	sdelay $0x1  }
0xa1: {  	s23 =	simm.s32 $0x1B8B  }
0xa2: {  	_ =	swait.ge [sflag:s23], $0x1  }
0xa3: {  	[sflag:s23] =	ssyncset.done $0x0  }
0xa4: {  	s25 =	simm.s32 $0x1B8E;
	s24 =	sld [smem:$0x3FFE];
	[sflag:s23] =	ssyncadd.s32 $0xFFFFFFFF  }
0xa5: {  	s26 =	simm.s32 $execute0_lowered;
	[smem:$0x3FD2] =	sst s25  }
0xa6: {  	s4 =	sshll.u32 s26, $0x1;
	_ =	strace $0x80000046;
	[dreg:$0x1] =	wrdreg $0xFFFFFFFF  }
0xa7: {  	s28 =	simm.s32 $_size_execute0_lowered;
	s2 =	sadd.s32 s2, s4;
	[dreg:$0x0] =	wrdreg $0x0  }
0xa8: {  	s4 =	sshll.u32 s28, $0x1;
	[dreg:$0x2] =	wrdreg s2  }
0xa9: {  	[dreg:$0x3] =	wrdreg s4  }
0xaa: {  	[dreg:$0x4] =	wrdreg $0xC0  }
0xab: {  	_ =	task [dreg:s6], $0x5FFFF  }
0xac: {  	[dreg:$0x1] =	wrdreg $0xFFFFFFFF  }
0xad: {  	[dreg:$0x0] =	wrdreg $0x60  }
0xae: {  	[dreg:$0x2] =	wrdreg s24  }
0xaf: {  	[dreg:$0x3] =	wrdreg $0x9  }
0xb0: {  	_ =	task.clear_ibuf [dreg:s6], $0x4FFFF;
	_ =	strace $0x90000046  }
0xb1: {  	s29 =	simm.s32 $0x9;
	_ =	strace $0x80000048  }
0xb2: {  	_ =	swait.ge [sflag:s29], $0x1  }
0xb3: {  	[sflag:s29] =	ssyncadd.s32 $0xFFFFFFFF  }
0xb4: {  	_ =	strace $0x90000048  }
0xb5: {  	_ =	sfence  }
0xb6: {  	s30 =	sld [smem:$0x0];
	_ =	sdelay $0x2  }
0xb7: {  	s31 =	sshll.u32 s1, $0xD;
	s1 =	sshrl.u32 s1, $0x2  }
0xb8: {  	s3 =	sand.u32 $0x4000, s31;
	s1 =	sadd.s32 s1, s30  }
0xb9: {  	s0 =	sor.u32 s3, s0;
	s1 =	sshll.u32 s1, $0x11  }
0xba: {  	s0 =	sor.u32 s1, s0  }
0xbb: {  	s0 =	sadd.s32 $0x8F2B, s0  }
0xbc: {  	[sflag:s0] =	ssyncadd.remote.s32 $0x1  }
0xbd: {  	_ =	sfence.sel $0xFFFF  }
0xbe: {  	[dreg:$0x0] =	wrdreg $0xFFFFFFFF;
	(pc) =	sbr.abs _section_cstart, $3  }
0xbf: {  	[dreg:$0x1] =	wrdreg $0xFFFFFFFF  }
0xc0: {  	_ =	task.clear_ibuf [dreg:s6], $0x2FFFF;
	_ =	strace $0x9FFFFFFF  }
0xc1: {  	(tm) =	ssettm $0x7FFFFFFF  }
tec
execute0_lowered:
.L_overlay_start_1:
0x0: {  	(tag) =	ssettag $0x1  }
0x1: {  	s4 =	rddreg [dreg:$0x0]  }
0x2: {  	s0 =	rddreg [dreg:$0x1];
	s2 =	simm.s32 $0x0;
	s3 =	srdreg.scid  }
0x3: {  	s1 =	stileid.u32;
	s10 =	simm.s32 $0x1080;
	s11 =	simm.s32 $0x1880  }
0x4: {  	s12 =	simm.s32 $0x2080;
	s13 =	simm.s32 $0x2880;
	s14 =	simm.s32 $0x3080  }
0x5: {  	s15 =	simm.s32 $0x3880;
	s16 =	simm.s32 $0x4080;
	s17 =	simm.s32 $0x4880  }
0x6: {  	s18 =	simm.s32 $0x5080;
	s19 =	simm.s32 $0x5880;
	s20 =	simm.s32 $0x6080  }
0x7: {  	s21 =	simm.s32 $0x6880;
	s22 =	simm.s32 $0x7080;
	s23 =	simm.s32 $0x7880  }
0x8: {  	s24 =	simm.s32 $0x1;
	s25 =	simm.s32 $0x0;
	[smem:$0x7FF] =	sst s2  }
0x9: {  	s5 =	sand.u32 $0x1, s3;
	s6 =	sshll.u32 s1, $0xC;
	s3 =	sadd.s32 $0x3800, s4  }
0xa: {  	s8 =	sshll.u32 s1, $0x11;
	_ =	strace $0x80000047;
	s7 =	sshll.u32 s5, $0xB  }
0xb: {  	s31 =	ssub.s32 $0x2, s5;
	s8 =	sadd.s32 s8, s4;
	s5 =	sshll.u32 s5, $0x10  }
0xc: {  	s6 =	sor.u32 s7, s6;
	s9 =	sshrl.u32 s31, $0x1;
	s5 =	sadd.s32 s5, s8  }
0xd: {  	v2 =	vlaneseq.u32;
	s8 =	simm.s32 $0x80;
	s6 =	sshrl.u32 s6, $0x3;
	s7 =	ssub.s32 s31, s9  }
0xe: {  	vm0 =	vmmov $0xffff;
	v1 =	vshrl.u32 v2, $0x3;
	s5 =	sadd.s32 $0x45800, s5;
	s9 =	simm.s32 $0x880;
	s6 =	sadd.s32 s6, s4  }
0xf: {  	v0 =	vand.u32 $0x7, v2;
	v2 =	vor.u32 $0x8, v2;
	v1 =	vmul.u32 $0x8, v1;
	s4 =	smax.u32 s7, $0x1;
	s7 =	simm.s32 $0x2;
	s6 =	sadd.s32 $0x43800, s6  }
.LBB2_1:
0x10: {  	s26 =	smov.u32 s5;
	s28 =	simm.s32 $0x0  }
.LBB2_2:
0x11: {  	s29 =	sadd.s32 s28, s6  }
0x12: {  	[tilespmem:s2], [sflag:$0x2] =	stream.linear.gather [hbm4b:s29+s2], $0x80, $0x38;
	[tilespmem:$0x8080] =	vst v63  }
0x13: {  	_ =	swait.ge [sflag:s7], $0x80  }
0x14: {  	[sflag:s7] =	ssyncset.done $0x0  }
0x15: {  	[sflag:s7] =	ssyncadd.s32 $0xFFFFFF80  }
0x16: {  	v3 =	vld [tilespmem:$0x0];
	_ =	sdelay $0x4  }
0x17: {  	v4 =	vshll.u32 v3, $0x1  }
0x18: {  	v3 =	vand.u32 $0x7, v3;
	v4 =	vand.u32 $0xFFFFFFF0, v4  }
0x19: {  	v3 =	vor.u32 v3, v4  }
0x1a: {  	v4 =	vperm.xlane v3, v0;
	_ =	sdelay $0x1  }
0x1b: {  	v3 =	vperm.xlane v3, v2;
	v4 =	vadd.s32 v1, v4;
	_ =	sdelay $0x1  }
0x1c: {  	v3 =	vadd.s32 v1, v3;
	_ =	sdelay $0x2  }
0x1d: {  	[tilespmem:s8], [sflag:$0x1] =	stream.indirect_vreg.gather [hbm4b:s3+s2], $0x80, v4, vm0, $0xb8;
	[tilespmem:$0x8080] =	vst v63  }
0x1e: {  	_ = 	snop  }
0x1f: {  	[tilespmem:s9], [sflag:$0x1] =	stream.indirect_vreg.gather [hbm4b:s3+s2], $0x80, v3, vm0, $0xb8;
	[tilespmem:$0x8080] =	vst v63  }
0x20: {  	v3 =	vld [tilespmem:$0x10];
	_ =	sdelay $0x4  }
0x21: {  	v57 =	vshll.u32 v3, $0x1  }
0x22: {  	v3 =	vand.u32 $0x7, v3;
	v4 =	vand.u32 $0xFFFFFFF0, v57  }
0x23: {  	v3 =	vor.u32 v3, v4  }
0x24: {  	v4 =	vperm.xlane v3, v0;
	_ =	sdelay $0x1  }
0x25: {  	v3 =	vperm.xlane v3, v2;
	v4 =	vadd.s32 v1, v4;
	_ =	sdelay $0x1  }
0x26: {  	v3 =	vadd.s32 v1, v3;
	_ =	sdelay $0x2  }
0x27: {  	[tilespmem:s10], [sflag:$0x1] =	stream.indirect_vreg.gather [hbm4b:s3+s2], $0x80, v4, vm0, $0xb8;
	[tilespmem:$0x8080] =	vst v63  }
0x28: {  	_ = 	snop  }
0x29: {  	[tilespmem:s11], [sflag:$0x1] =	stream.indirect_vreg.gather [hbm4b:s3+s2], $0x80, v3, vm0, $0xb8;
	[tilespmem:$0x8080] =	vst v63  }
0x2a: {  	v3 =	vld [tilespmem:$0x20];
	_ =	sdelay $0x4  }
0x2b: {  	v58 =	vshll.u32 v3, $0x1  }
0x2c: {  	v3 =	vand.u32 $0x7, v3;
	v4 =	vand.u32 $0xFFFFFFF0, v58  }
0x2d: {  	v3 =	vor.u32 v3, v4  }
0x2e: {  	v4 =	vperm.xlane v3, v0;
	_ =	sdelay $0x1  }
0x2f: {  	v3 =	vperm.xlane v3, v2;
	v4 =	vadd.s32 v1, v4;
	_ =	sdelay $0x1  }
0x30: {  	v3 =	vadd.s32 v1, v3;
	_ =	sdelay $0x2  }
0x31: {  	[tilespmem:s12], [sflag:$0x1] =	stream.indirect_vreg.gather [hbm4b:s3+s2], $0x80, v4, vm0, $0xb8;
	[tilespmem:$0x8080] =	vst v63  }
0x32: {  	_ = 	snop  }
0x33: {  	[tilespmem:s13], [sflag:$0x1] =	stream.indirect_vreg.gather [hbm4b:s3+s2], $0x80, v3, vm0, $0xb8;
	[tilespmem:$0x8080] =	vst v63  }
0x34: {  	v3 =	vld [tilespmem:$0x30];
	_ =	sdelay $0x4  }
0x35: {  	v59 =	vshll.u32 v3, $0x1  }
0x36: {  	v3 =	vand.u32 $0x7, v3;
	v4 =	vand.u32 $0xFFFFFFF0, v59  }
0x37: {  	v3 =	vor.u32 v3, v4  }
0x38: {  	v4 =	vperm.xlane v3, v0;
	_ =	sdelay $0x1  }
0x39: {  	v3 =	vperm.xlane v3, v2;
	v4 =	vadd.s32 v1, v4;
	_ =	sdelay $0x1  }
0x3a: {  	v3 =	vadd.s32 v1, v3;
	_ =	sdelay $0x2  }
0x3b: {  	[tilespmem:s14], [sflag:$0x1] =	stream.indirect_vreg.gather [hbm4b:s3+s2], $0x80, v4, vm0, $0xb8;
	[tilespmem:$0x8080] =	vst v63  }
0x3c: {  	_ = 	snop  }
0x3d: {  	[tilespmem:s15], [sflag:$0x1] =	stream.indirect_vreg.gather [hbm4b:s3+s2], $0x80, v3, vm0, $0xb8;
	[tilespmem:$0x8080] =	vst v63  }
0x3e: {  	v3 =	vld [tilespmem:$0x40];
	_ =	sdelay $0x4  }
0x3f: {  	v60 =	vshll.u32 v3, $0x1  }
0x40: {  	v3 =	vand.u32 $0x7, v3;
	v4 =	vand.u32 $0xFFFFFFF0, v60  }
0x41: {  	v3 =	vor.u32 v3, v4  }
0x42: {  	v4 =	vperm.xlane v3, v0;
	_ =	sdelay $0x1  }
0x43: {  	v3 =	vperm.xlane v3, v2;
	v4 =	vadd.s32 v1, v4;
	_ =	sdelay $0x1  }
0x44: {  	v3 =	vadd.s32 v1, v3;
	_ =	sdelay $0x2  }
0x45: {  	[tilespmem:s16], [sflag:$0x1] =	stream.indirect_vreg.gather [hbm4b:s3+s2], $0x80, v4, vm0, $0xb8;
	[tilespmem:$0x8080] =	vst v63  }
0x46: {  	_ = 	snop  }
0x47: {  	[tilespmem:s17], [sflag:$0x1] =	stream.indirect_vreg.gather [hbm4b:s3+s2], $0x80, v3, vm0, $0xb8;
	[tilespmem:$0x8080] =	vst v63  }
0x48: {  	v3 =	vld [tilespmem:$0x50];
	_ =	sdelay $0x4  }
0x49: {  	v61 =	vshll.u32 v3, $0x1  }
0x4a: {  	v3 =	vand.u32 $0x7, v3;
	v4 =	vand.u32 $0xFFFFFFF0, v61  }
0x4b: {  	v3 =	vor.u32 v3, v4  }
0x4c: {  	v4 =	vperm.xlane v3, v0;
	_ =	sdelay $0x1  }
0x4d: {  	v3 =	vperm.xlane v3, v2;
	v4 =	vadd.s32 v1, v4;
	_ =	sdelay $0x1  }
0x4e: {  	v3 =	vadd.s32 v1, v3;
	_ =	sdelay $0x2  }
0x4f: {  	[tilespmem:s18], [sflag:$0x1] =	stream.indirect_vreg.gather [hbm4b:s3+s2], $0x80, v4, vm0, $0xb8;
	[tilespmem:$0x8080] =	vst v63  }
0x50: {  	_ = 	snop  }
0x51: {  	[tilespmem:s19], [sflag:$0x1] =	stream.indirect_vreg.gather [hbm4b:s3+s2], $0x80, v3, vm0, $0xb8;
	[tilespmem:$0x8080] =	vst v63  }
0x52: {  	v3 =	vld [tilespmem:$0x60];
	_ =	sdelay $0x4  }
0x53: {  	v62 =	vshll.u32 v3, $0x1  }
0x54: {  	v3 =	vand.u32 $0x7, v3;
	v4 =	vand.u32 $0xFFFFFFF0, v62  }
0x55: {  	v3 =	vor.u32 v3, v4  }
0x56: {  	v4 =	vperm.xlane v3, v0;
	_ =	sdelay $0x1  }
0x57: {  	v3 =	vperm.xlane v3, v2;
	v4 =	vadd.s32 v1, v4;
	_ =	sdelay $0x1  }
0x58: {  	v3 =	vadd.s32 v1, v3;
	_ =	sdelay $0x2  }
0x59: {  	[tilespmem:s20], [sflag:$0x1] =	stream.indirect_vreg.gather [hbm4b:s3+s2], $0x80, v4, vm0, $0xb8;
	[tilespmem:$0x8080] =	vst v63  }
0x5a: {  	_ = 	snop  }
0x5b: {  	[tilespmem:s21], [sflag:$0x1] =	stream.indirect_vreg.gather [hbm4b:s3+s2], $0x80, v3, vm0, $0xb8;
	[tilespmem:$0x8080] =	vst v63  }
0x5c: {  	v3 =	vld [tilespmem:$0x70];
	_ =	sdelay $0x4  }
0x5d: {  	v63 =	vshll.u32 v3, $0x1  }
0x5e: {  	v3 =	vand.u32 $0x7, v3;
	v4 =	vand.u32 $0xFFFFFFF0, v63  }
0x5f: {  	v3 =	vor.u32 v3, v4  }
0x60: {  	v4 =	vperm.xlane v3, v0;
	_ =	sdelay $0x1  }
0x61: {  	v3 =	vperm.xlane v3, v2;
	v4 =	vadd.s32 v1, v4;
	_ =	sdelay $0x1  }
0x62: {  	v3 =	vadd.s32 v1, v3;
	_ =	sdelay $0x2  }
0x63: {  	[tilespmem:s22], [sflag:$0x1] =	stream.indirect_vreg.gather [hbm4b:s3+s2], $0x80, v4, vm0, $0xb8;
	[tilespmem:$0x8080] =	vst v63  }
0x64: {  	_ = 	snop  }
0x65: {  	[tilespmem:s23], [sflag:$0x1] =	stream.indirect_vreg.gather [hbm4b:s3+s2], $0x80, v3, vm0, $0xb8;
	[tilespmem:$0x8080] =	vst v63  }
0x66: {  	_ =	swait.ge [sflag:s24], $0x8000  }
0x67: {  	p0 =	sne.s32 s28, $0xF0;
	[sflag:s24] =	ssyncset.done $0x0  }
.Ltmp0:
0x68: {  	[sflag:s24] =	ssyncadd.s32 $0xFFFF8000;
	(pc) =	sbr.rel @p0 .LBB2_2-.Ltmp0, $4  }
0x69: {  	[hbm4b:s26+s2] =	stream.linear.scatter [tilespmem:s8], [sflag:$0x2], $0x8000, $0x38;
	[tilespmem:$0x8080] =	vst v63  }
0x6a: {  	_ =	swait.ge [sflag:s7], $0x8000  }
0x6b: {  	[sflag:s7] =	ssyncset.done $0x0  }
0x6c: {  	s28 =	sadd.s32 $0x10, s28;
	s26 =	sadd.s32 $0x1000, s26;
	[sflag:s7] =	ssyncadd.s32 $0xFFFF8000  }
0x6d: {  	s25 =	sadd.s32 $0x1, s25  }
0x6e: {  	p0 =	sne.s32 s25, s4  }
.Ltmp1:
0x6f: {  	_ = 	snop;
	(pc) =	sbr.rel @p0 .LBB2_1-.Ltmp1, $1  }
0x70: {  	_ =	sdelay $0x3  }
0x71: {  	_ =	sfence.sel $0x180000  }
0x72: {  	[bflag:$0x0] =	sbarrier.arrive $0xFFFF  }
0x73: {  	p0 =	sne.s32 s1, $0x0;
	_ =	strace $0x90000047  }
0x74: {  	s0 =	sadd.s32 @!p0 $0x100000, s0;
	[bflag:$0x2] =	sbarrier.arrive $0xFFFF  }
0x75: {  	[sflag:s0] =	ssyncadd.tile.s32 @!p0 $0x1;
	_ =	shalt  }
.Lfunc_end2:
_tile_overlayer_lowered:
.L_overlay_start_2:
0x76: {  	(tag) =	ssettag $0x2  }
0x77: {  	s0 =	rddreg [dreg:$0x0];
	s2 =	stileid.u32  }
0x78: {  	s1 =	rddreg [dreg:$0x1];
	p0 =	sne.s32 s2, $0x0  }
0x79: {  	s3 =	rddreg [dreg:$0x2];
	[bflag:$0x3] =	sbarrier.arrive $0xFFFF;
	s2 =	simm.s32 @!p0 $0x1C02  }
0x7a: {  	[timem:s3], [sflag:s2] =	dma.local @!p0 [hbm:s0], s1  }
0x7b: {  	s0 =	simm.s32 @!p0 $0x2  }
0x7c: {  	_ =	swait.ge @!p0 [sflag:s0], s1  }
0x7d: {  	s1 =	ssub.s32 @!p0 $0x0, s1;
	[sflag:s0] =	ssyncset.done @!p0 $0x0  }
0x7e: {  	[sflag:s0] =	ssyncadd.s32 @!p0 s1  }
0x7f: {  	[bflag:$0x3] =	sbarrier.arrive $0xFFFF  }
0x80: {  	_ =	shalt  }

</sc_bundles>
